<compile_context>
chip_gen: v7x
topology: tpu7x:2x2x1
jax: 0.10.2.dev20260603
libtpu: 0.0.44.dev20260713+nightly
codegen_flags: <defaults>
</compile_context>

<pallas_src>
import functools

import jax
import jax.numpy as jnp
from jax import lax
from jax.experimental import pallas as pl
from jax.experimental.pallas import tpu as pltpu
from jax.experimental.pallas import tpu_sc as plsc

_N = 10000
_E = 320000
_F_IN = 128
_D1 = 32
_D2 = 64
_EMB = 64
_G = 64

_NW = 32
_CHUNK = 128
_NCHUNK = -(-_E // (_NW * _CHUNK))
_E_PAD = _NW * _NCHUNK * _CHUNK
_N_PAD = 10112
_STRIPE = _N_PAD // 16


@functools.lru_cache(maxsize=None)
def _make_seg_sum(d):
    mesh = plsc.VectorSubcoreMesh(core_axis_name="c", subcore_axis_name="s",
                                  num_cores=2, num_subcores=16)

    @functools.partial(
        pl.kernel,
        out_type=jax.ShapeDtypeStruct((2, _N_PAD, d), jnp.float32),
        mesh=mesh,
        scratch_types=[
            pltpu.VMEM((2, _CHUNK), jnp.int32),
            pltpu.VMEM((_CHUNK, d), jnp.float32),
            pltpu.VMEM_SHARED((_N_PAD, d), jnp.float32),
            pltpu.SemaphoreType.DMA,
        ],
        compiler_params=pltpu.CompilerParams(use_tc_tiling_on_sc=False),
    )
    def seg(y_hbm, idx_hbm, zero_hbm, out_hbm, idxb, rows, acc, sem):
        cid = lax.axis_index("c")
        sid = lax.axis_index("s")
        wid = sid * 2 + cid
        off = pl.multiple_of(sid * _STRIPE, 8)
        pltpu.sync_copy(zero_hbm.at[pl.ds(off, _STRIPE)],
                        acc.at[pl.ds(off, _STRIPE)])
        plsc.subcore_barrier()

        def body(j, carry):
            pltpu.sync_copy(idx_hbm.at[wid, j], idxb)
            pltpu.async_copy(y_hbm.at[idxb.at[0]], rows, sem).wait()
            pltpu.sync_copy(rows, acc.at[idxb.at[1]], add=True)
            return carry

        lax.fori_loop(0, _NCHUNK, body, 0)
        plsc.subcore_barrier()
        pltpu.sync_copy(acc.at[pl.ds(off, _STRIPE)],
                        out_hbm.at[cid, pl.ds(off, _STRIPE)])

    return seg


def _mid_body(x_ref, p_ref, b1a_ref, w1a_ref, w1b_ref, b1b_ref, g1_ref, be1_ref, o_ref):
    t = x_ref[...] + p_ref[0, : _N, :] + p_ref[1, : _N, :]
    h = jnp.maximum(jnp.dot(t, w1a_ref[...], preferred_element_type=jnp.float32)
                    + b1a_ref[...], 0.0)
    h = jnp.dot(h, w1b_ref[...], preferred_element_type=jnp.float32) + b1b_ref[...]
    h = jnp.maximum(h, 0.0)
    mean = jnp.mean(h, axis=0, keepdims=True)
    var = jnp.mean((h - mean) * (h - mean), axis=0, keepdims=True)
    o_ref[...] = g1_ref[...] * (h - mean) / jnp.sqrt(var + 1e-5) + be1_ref[...]


def _fin_body(h_ref, p_ref, b2a_ref, w2a_ref, w2b_ref, b2b_ref, g2_ref, be2_ref,
              batch_ref, o_ref):
    t = h_ref[...] + p_ref[0, : _N, :] + p_ref[1, : _N, :]
    h = jnp.maximum(jnp.dot(t, w2a_ref[...], preferred_element_type=jnp.float32)
                    + b2a_ref[...], 0.0)
    h = jnp.dot(h, w2b_ref[...], preferred_element_type=jnp.float32) + b2b_ref[...]
    h = jnp.maximum(h, 0.0)
    mean = jnp.mean(h, axis=0, keepdims=True)
    var = jnp.mean((h - mean) * (h - mean), axis=0, keepdims=True)
    hbn = g2_ref[...] * (h - mean) / jnp.sqrt(var + 1e-5) + be2_ref[...]
    gids = lax.broadcasted_iota(jnp.int32, (_N, _G), 1)
    onehot = (batch_ref[...] == gids).astype(jnp.float32)
    sums = lax.dot_general(onehot, hbn, (((0,), (0,)), ((), ())),
                           preferred_element_type=jnp.float32,
                           precision=lax.Precision.HIGHEST)
    cnt = lax.dot_general(onehot, jnp.ones((_N, 1), jnp.float32),
                          (((0,), (0,)), ((), ())),
                          preferred_element_type=jnp.float32,
                          precision=lax.Precision.HIGHEST)
    o_ref[...] = sums / jnp.maximum(cnt, 1.0)


def kernel(x, edge_index, batch, W1a, b1a, W1b, b1b, g1, be1, W2a, b2a, W2b, b2b, g2, be2):
    pad = _E_PAD - _E
    src = jnp.concatenate([edge_index[0], jnp.zeros((pad,), jnp.int32)])
    dst = jnp.concatenate([edge_index[1], jnp.full((pad,), _N, jnp.int32)])
    idx3 = jnp.stack([src.reshape(_NW, _NCHUNK, _CHUNK),
                      dst.reshape(_NW, _NCHUNK, _CHUNK)], axis=2)
    zero128 = jnp.zeros((_N_PAD, _F_IN), jnp.float32)
    zero64 = jnp.zeros((_N_PAD, _D2), jnp.float32)
    b2 = batch.reshape(_N, 1)

    p1 = _make_seg_sum(_F_IN)(x, idx3, zero128)

    hbn = pl.pallas_call(
        _mid_body, out_shape=jax.ShapeDtypeStruct((_N, _D2), jnp.float32)
    )(x, p1, b1a.reshape(1, _D1), W1a, W1b, b1b.reshape(1, _D2),
      g1.reshape(1, _D2), be1.reshape(1, _D2))

    p2 = _make_seg_sum(_D2)(hbn, idx3, zero64)

    out = pl.pallas_call(
        _fin_body, out_shape=jax.ShapeDtypeStruct((_G, _EMB), jnp.float32)
    )(hbn, p2, b2a.reshape(1, _D2), W2a, W2b, b2b.reshape(1, _EMB),
      g2.reshape(1, _EMB), be2.reshape(1, _EMB), b2)
    return out

# --- scband reference (transcript-rebuilt; emitter-appended) ---
"""Pipeline reference for scband-gin-model-14139032339194 (READ-ONLY COPY).

The authoritative reference and input builder live on the scoring server;
editing this copy changes nothing except your own understanding.
"""

import jax, jax.numpy as jnp
import numpy as np

N = 10000
E = 320000
F_IN = 128
D1 = 32
D2 = 64
EMB = 64
G = 64


def setup_inputs(seed: int = 0) -> dict:
    key = jax.random.key(seed)
    ks = jax.random.split(key, 8)
    x = jax.random.normal(ks[0], (N, F_IN), dtype=jnp.float32)
    edge_index = jax.random.randint(ks[1], (2, E), 0, N, dtype=jnp.int32)
    batch = jnp.sort(jax.random.randint(ks[2], (N,), 0, G, dtype=jnp.int32))

    def lin(k, fi, fo):
        return jax.random.normal(k, (fi, fo), dtype=jnp.float32) * (1.0 / np.sqrt(fi))

    return {
        'x': x, 'edge_index': edge_index, 'batch': batch,
        'W1a': lin(ks[3], F_IN, D1), 'b1a': jnp.zeros((D1,), jnp.float32),
        'W1b': lin(ks[4], D1, D2), 'b1b': jnp.zeros((D2,), jnp.float32),
        'g1': jnp.ones((D2,), jnp.float32), 'be1': jnp.zeros((D2,), jnp.float32),
        'W2a': lin(ks[5], D2, D2), 'b2a': jnp.zeros((D2,), jnp.float32),
        'W2b': lin(ks[6], D2, EMB), 'b2b': jnp.zeros((EMB,), jnp.float32),
        'g2': jnp.ones((EMB,), jnp.float32), 'be2': jnp.zeros((EMB,), jnp.float32),
    }


def _batchnorm(h, g, b, eps=1e-5):
    mean = h.mean(axis=0)
    var = h.var(axis=0)
    return g * (h - mean) / jnp.sqrt(var + eps) + b


def _forward(x, W1a, b1a, W1b, b1b, g1, be1, W2a, b2a, W2b, b2b, g2, be2, edge_index, batch):
    # drop invalid (negative) edges, as in the torch forward
    valid = jnp.all(edge_index >= 0, axis=0)
    n = x.shape[0]
    # fixed-shape masked equivalent: invalid edges are routed to dummy segment n
    src = jnp.where(valid, edge_index[0], 0)
    dst = jnp.where(valid, edge_index[1], n)
    # GINConv 1 (eps=0): h_i = MLP((1+eps)*x_i + sum_{j->i} x_j)
    agg = jax.ops.segment_sum(x[src], dst, num_segments=n + 1)[:n]
    h = x + agg
    h = jnp.maximum(h @ W1a + b1a, 0.0)
    h = h @ W1b + b1b
    h = jnp.maximum(h, 0.0)        # F.relu(conv1(...))
    h = _batchnorm(h, g1, be1)     # bn1 (batch statistics)
    # GINConv 2
    agg2 = jax.ops.segment_sum(h[src], dst, num_segments=n + 1)[:n]
    h2 = h + agg2
    h2 = jnp.maximum(h2 @ W2a + b2a, 0.0)
    h2 = h2 @ W2b + b2b
    h2 = jnp.maximum(h2, 0.0)      # F.relu(conv2(...))
    h2 = _batchnorm(h2, g2, be2)   # bn2
    # global_mean_pool over graph ids
    num_graphs = G
    sums = jax.ops.segment_sum(h2, batch, num_segments=num_graphs)
    cnt = jax.ops.segment_sum(jnp.ones((n,), jnp.float32), batch, num_segments=num_graphs)
    return sums / jnp.maximum(cnt, 1.0)[:, None]


def reference(x, edge_index, batch, W1a, b1a, W1b, b1b, g1, be1, W2a, b2a, W2b, b2b, g2, be2):
    return _forward(x, W1a, b1a, W1b, b1b, g1, be1, W2a, b2a, W2b, b2b, g2, be2, edge_index, batch)

if __name__ == "__main__":
    import jax
    _d = setup_inputs()
    print(jax.jit(kernel)(*tuple(_d.values())))

</pallas_src>

<mosaic_0001>
#map = affine_map<(d0, d1) -> (0, 0)>
#map1 = affine_map<(d0, d1) -> (0, 0, 0, 0)>
#map2 = affine_map<(d0, d1) -> (0, 0, 0)>
module attributes {stable_mosaic.version = 14 : i64} {
  func.func @seg(%arg0: i32, %arg1: i32, %arg2: memref<10000x64xf32, #tpu.memory_space<hbm>>, %arg3: memref<32x79x2x128xi32, #tpu.memory_space<hbm>>, %arg4: memref<10112x64xf32, #tpu.memory_space<hbm>>, %arg5: memref<2x10112x64xf32, #tpu.memory_space<hbm>>, %arg6: memref<2x128xi32, #tpu.memory_space<vmem>>, %arg7: memref<128x64xf32, #tpu.memory_space<vmem>>, %arg8: memref<10112x64xf32, #tpu.memory_space<vmem_shared>>, %arg9: memref<!tpu.dma_semaphore, #tpu.memory_space<semaphore_mem>>) attributes {dimension_semantics = [#tpu.dimension_semantics<core_parallel>, #tpu.dimension_semantics<subcore_parallel>], iteration_bounds = array<i64: 2, 16>, scalar_prefetch = 0 : i64, scratch_operands = 4 : i64, tpu.core_type = #tpu.core_type<sc_vector_subcore>, window_params = [{transform_indices = #map}, {transform_indices = #map1}, {transform_indices = #map}, {transform_indices = #map2}]} {
    %mul3A = arith.constant 2 : i32
    %mul3A_0 = arith.muli %arg1, %mul3A : i32
    %add3A = arith.addi %mul3A_0, %arg0 : i32
    %mul3A_1 = arith.constant 632 : i32
    %mul3A_2 = arith.muli %arg1, %mul3A_1 : i32
    %multiple_of3A = tpu.assume_multiple %mul3A_2, 8 : i32
    "tpu.region"() ({
      %run_scoped3A = tpu.sem_alloc : memref<!tpu.dma_semaphore, #tpu.memory_space<semaphore_mem>>
      %dma_start3A = arith.constant 0 : i32
      %dma_start3A_9 = tpu.memref_slice %arg8[%multiple_of3A, %dma_start3A] : memref<10112x64xf32, #tpu.memory_space<vmem_shared>> -> memref<632x64xf32, #tpu.memory_space<vmem_shared>>
      %dma_start3A_10 = arith.constant 0 : i32
      %dma_start3A_11 = tpu.memref_slice %arg4[%multiple_of3A, %dma_start3A_10] : memref<10112x64xf32, #tpu.memory_space<hbm>> -> memref<632x64xf32, #tpu.memory_space<hbm>>
      tpu.enqueue_dma source(%dma_start3A_11 : memref<632x64xf32, #tpu.memory_space<hbm>>) target(%dma_start3A_9 : memref<632x64xf32, #tpu.memory_space<vmem_shared>>) target_semaphore(%run_scoped3A : memref<!tpu.dma_semaphore, #tpu.memory_space<semaphore_mem>>)
      %dma_wait3A = arith.constant 0 : i32
      %dma_wait3A_12 = tpu.memref_slice %arg8[%multiple_of3A, %dma_wait3A] : memref<10112x64xf32, #tpu.memory_space<vmem_shared>> -> memref<632x64xf32, #tpu.memory_space<vmem_shared>>
      %dma_wait3A_13 = arith.constant 0 : i32
      %dma_wait3A_14 = tpu.memref_slice %arg4[%multiple_of3A, %dma_wait3A_13] : memref<10112x64xf32, #tpu.memory_space<hbm>> -> memref<632x64xf32, #tpu.memory_space<hbm>>
      tpu.wait_dma2 semaphore(%run_scoped3A : memref<!tpu.dma_semaphore, #tpu.memory_space<semaphore_mem>>) src(%dma_wait3A_14 : memref<632x64xf32, #tpu.memory_space<hbm>>) dst(%dma_wait3A_12 : memref<632x64xf32, #tpu.memory_space<vmem_shared>>)
      tpu.yield
    }) : () -> ()
    %barrier3A = arith.constant 0 : index
    tpu.barrier barrier_id(%barrier3A)
    %scan3A = arith.constant 0 : i32
    %scan3A_3 = arith.constant 0 : i32
    %scan3A_4 = arith.constant 79 : i32
    %scan3A_5 = arith.addi %scan3A_3, %scan3A_4 : i32
    %scan3A_6 = arith.constant 1 : i32
    scf.for %scan3A_9 = %scan3A_3 to %scan3A_5 step %scan3A_6  : i32 {
      "tpu.region"() ({
        %run_scoped3A_22 = tpu.sem_alloc : memref<!tpu.dma_semaphore, #tpu.memory_space<semaphore_mem>>
        %dma_start3A_23 = arith.constant 0 : i32
        %dma_start3A_24 = arith.constant 0 : i32
        %dma_start3A_25 = tpu.memref_slice %arg3[%add3A, %scan3A_9, %dma_start3A_23, %dma_start3A_24] : memref<32x79x2x128xi32, #tpu.memory_space<hbm>> -> memref<1x1x2x128xi32, #tpu.memory_space<hbm>>
        %dma_start3A_26 = tpu.memref_squeeze %dma_start3A_25 : memref<1x1x2x128xi32, #tpu.memory_space<hbm>> -> memref<2x128xi32, #tpu.memory_space<hbm>>
        %dma_start3A_27 = arith.constant 0 : i32
        %dma_start3A_28 = arith.constant 0 : i32
        %dma_start3A_29 = tpu.memref_slice %arg3[%add3A, %scan3A_9, %dma_start3A_27, %dma_start3A_28] : memref<32x79x2x128xi32, #tpu.memory_space<hbm>> -> memref<1x1x2x128xi32, #tpu.memory_space<hbm>>
        %dma_start3A_30 = tpu.memref_squeeze %dma_start3A_29 : memref<1x1x2x128xi32, #tpu.memory_space<hbm>> -> memref<2x128xi32, #tpu.memory_space<hbm>>
        tpu.enqueue_dma source(%dma_start3A_30 : memref<2x128xi32, #tpu.memory_space<hbm>>) target(%arg6 : memref<2x128xi32, #tpu.memory_space<vmem>>) target_semaphore(%run_scoped3A_22 : memref<!tpu.dma_semaphore, #tpu.memory_space<semaphore_mem>>)
        %dma_wait3A_31 = arith.constant 0 : i32
        %dma_wait3A_32 = arith.constant 0 : i32
        %dma_wait3A_33 = tpu.memref_slice %arg3[%add3A, %scan3A_9, %dma_wait3A_31, %dma_wait3A_32] : memref<32x79x2x128xi32, #tpu.memory_space<hbm>> -> memref<1x1x2x128xi32, #tpu.memory_space<hbm>>
        %dma_wait3A_34 = tpu.memref_squeeze %dma_wait3A_33 : memref<1x1x2x128xi32, #tpu.memory_space<hbm>> -> memref<2x128xi32, #tpu.memory_space<hbm>>
        %dma_wait3A_35 = arith.constant 0 : i32
        %dma_wait3A_36 = arith.constant 0 : i32
        %dma_wait3A_37 = tpu.memref_slice %arg3[%add3A, %scan3A_9, %dma_wait3A_35, %dma_wait3A_36] : memref<32x79x2x128xi32, #tpu.memory_space<hbm>> -> memref<1x1x2x128xi32, #tpu.memory_space<hbm>>
        %dma_wait3A_38 = tpu.memref_squeeze %dma_wait3A_37 : memref<1x1x2x128xi32, #tpu.memory_space<hbm>> -> memref<2x128xi32, #tpu.memory_space<hbm>>
        tpu.wait_dma2 semaphore(%run_scoped3A_22 : memref<!tpu.dma_semaphore, #tpu.memory_space<semaphore_mem>>) src(%dma_wait3A_38 : memref<2x128xi32, #tpu.memory_space<hbm>>) dst(%arg6 : memref<2x128xi32, #tpu.memory_space<vmem>>)
        tpu.yield
      }) : () -> ()
      %dma_start3A = arith.constant 0 : i32
      %dma_start3A_10 = arith.constant 0 : i32
      %dma_start3A_11 = tpu.memref_slice %arg6[%dma_start3A, %dma_start3A_10] : memref<2x128xi32, #tpu.memory_space<vmem>> -> memref<1x128xi32, #tpu.memory_space<vmem>>
      %dma_start3A_12 = tpu.memref_squeeze %dma_start3A_11 : memref<1x128xi32, #tpu.memory_space<vmem>> -> memref<128xi32, #tpu.memory_space<vmem>>
      %dma_start3A_13 = arith.constant 0 : i32
      %dma_start3A_14 = arith.constant 0 : i32
      %dma_start3A_15 = tpu.memref_slice %arg2[%dma_start3A_13, %dma_start3A_14] : memref<10000x64xf32, #tpu.memory_space<hbm>> -> memref<10000x64xf32, #tpu.memory_space<hbm>>
      tpu.enqueue_indirect_dma source(%dma_start3A_15 : memref<10000x64xf32, #tpu.memory_space<hbm>>) target(%arg7 : memref<128x64xf32, #tpu.memory_space<vmem>>) offsets(%dma_start3A_12 : memref<128xi32, #tpu.memory_space<vmem>>) semaphore(%arg9 : memref<!tpu.dma_semaphore, #tpu.memory_space<semaphore_mem>>)
      %dma_wait3A = arith.constant 0 : i32
      %dma_wait3A_16 = arith.constant 0 : i32
      %dma_wait3A_17 = tpu.memref_slice %arg6[%dma_wait3A, %dma_wait3A_16] : memref<2x128xi32, #tpu.memory_space<vmem>> -> memref<1x128xi32, #tpu.memory_space<vmem>>
      %dma_wait3A_18 = tpu.memref_squeeze %dma_wait3A_17 : memref<1x128xi32, #tpu.memory_space<vmem>> -> memref<128xi32, #tpu.memory_space<vmem>>
      %dma_wait3A_19 = arith.constant 0 : i32
      %dma_wait3A_20 = arith.constant 0 : i32
      %dma_wait3A_21 = tpu.memref_slice %arg2[%dma_wait3A_19, %dma_wait3A_20] : memref<10000x64xf32, #tpu.memory_space<hbm>> -> memref<10000x64xf32, #tpu.memory_space<hbm>>
      tpu.wait_indirect_dma semaphore(%arg9 : memref<!tpu.dma_semaphore, #tpu.memory_space<semaphore_mem>>) src(%dma_wait3A_21 : memref<10000x64xf32, #tpu.memory_space<hbm>>) dst(%arg7 : memref<128x64xf32, #tpu.memory_space<vmem>>)
      %run_scoped3A = arith.constant 1 : i32
      "tpu.region"() ({
        %run_scoped3A_22 = tpu.sem_alloc : memref<!tpu.dma_semaphore, #tpu.memory_space<semaphore_mem>>
        %dma_start3A_23 = arith.constant 0 : i32
        %dma_start3A_24 = tpu.memref_slice %arg6[%run_scoped3A, %dma_start3A_23] : memref<2x128xi32, #tpu.memory_space<vmem>> -> memref<1x128xi32, #tpu.memory_space<vmem>>
        %dma_start3A_25 = tpu.memref_squeeze %dma_start3A_24 : memref<1x128xi32, #tpu.memory_space<vmem>> -> memref<128xi32, #tpu.memory_space<vmem>>
        %dma_start3A_26 = arith.constant 0 : i32
        %dma_start3A_27 = arith.constant 0 : i32
        %dma_start3A_28 = tpu.memref_slice %arg8[%dma_start3A_26, %dma_start3A_27] : memref<10112x64xf32, #tpu.memory_space<vmem_shared>> -> memref<10112x64xf32, #tpu.memory_space<vmem_shared>>
        tpu.enqueue_indirect_dma source(%arg7 : memref<128x64xf32, #tpu.memory_space<vmem>>) target(%dma_start3A_28 : memref<10112x64xf32, #tpu.memory_space<vmem_shared>>) offsets(%dma_start3A_25 : memref<128xi32, #tpu.memory_space<vmem>>) semaphore(%run_scoped3A_22 : memref<!tpu.dma_semaphore, #tpu.memory_space<semaphore_mem>>) {add = true}
        %dma_wait3A_29 = arith.constant 0 : i32
        %dma_wait3A_30 = tpu.memref_slice %arg6[%run_scoped3A, %dma_wait3A_29] : memref<2x128xi32, #tpu.memory_space<vmem>> -> memref<1x128xi32, #tpu.memory_space<vmem>>
        %dma_wait3A_31 = tpu.memref_squeeze %dma_wait3A_30 : memref<1x128xi32, #tpu.memory_space<vmem>> -> memref<128xi32, #tpu.memory_space<vmem>>
        %dma_wait3A_32 = arith.constant 0 : i32
        %dma_wait3A_33 = arith.constant 0 : i32
        %dma_wait3A_34 = tpu.memref_slice %arg8[%dma_wait3A_32, %dma_wait3A_33] : memref<10112x64xf32, #tpu.memory_space<vmem_shared>> -> memref<10112x64xf32, #tpu.memory_space<vmem_shared>>
        tpu.wait_indirect_dma semaphore(%run_scoped3A_22 : memref<!tpu.dma_semaphore, #tpu.memory_space<semaphore_mem>>) src(%arg7 : memref<128x64xf32, #tpu.memory_space<vmem>>) dst(%dma_wait3A_34 : memref<10112x64xf32, #tpu.memory_space<vmem_shared>>)
        tpu.yield
      }) : () -> ()
    }
    %scan3A_7 = arith.constant 79 : i32
    %barrier3A_8 = arith.constant 0 : index
    tpu.barrier barrier_id(%barrier3A_8)
    "tpu.region"() ({
      %run_scoped3A = tpu.sem_alloc : memref<!tpu.dma_semaphore, #tpu.memory_space<semaphore_mem>>
      %dma_start3A = arith.constant 0 : i32
      %dma_start3A_9 = tpu.memref_slice %arg5[%arg0, %multiple_of3A, %dma_start3A] : memref<2x10112x64xf32, #tpu.memory_space<hbm>> -> memref<1x632x64xf32, #tpu.memory_space<hbm>>
      %dma_start3A_10 = tpu.memref_squeeze %dma_start3A_9 : memref<1x632x64xf32, #tpu.memory_space<hbm>> -> memref<632x64xf32, #tpu.memory_space<hbm>>
      %dma_start3A_11 = arith.constant 0 : i32
      %dma_start3A_12 = tpu.memref_slice %arg8[%multiple_of3A, %dma_start3A_11] : memref<10112x64xf32, #tpu.memory_space<vmem_shared>> -> memref<632x64xf32, #tpu.memory_space<vmem_shared>>
      tpu.enqueue_dma source(%dma_start3A_12 : memref<632x64xf32, #tpu.memory_space<vmem_shared>>) target(%dma_start3A_10 : memref<632x64xf32, #tpu.memory_space<hbm>>) target_semaphore(%run_scoped3A : memref<!tpu.dma_semaphore, #tpu.memory_space<semaphore_mem>>)
      %dma_wait3A = arith.constant 0 : i32
      %dma_wait3A_13 = tpu.memref_slice %arg5[%arg0, %multiple_of3A, %dma_wait3A] : memref<2x10112x64xf32, #tpu.memory_space<hbm>> -> memref<1x632x64xf32, #tpu.memory_space<hbm>>
      %dma_wait3A_14 = tpu.memref_squeeze %dma_wait3A_13 : memref<1x632x64xf32, #tpu.memory_space<hbm>> -> memref<632x64xf32, #tpu.memory_space<hbm>>
      %dma_wait3A_15 = arith.constant 0 : i32
      %dma_wait3A_16 = tpu.memref_slice %arg8[%multiple_of3A, %dma_wait3A_15] : memref<10112x64xf32, #tpu.memory_space<vmem_shared>> -> memref<632x64xf32, #tpu.memory_space<vmem_shared>>
      tpu.wait_dma2 semaphore(%run_scoped3A : memref<!tpu.dma_semaphore, #tpu.memory_space<semaphore_mem>>) src(%dma_wait3A_16 : memref<632x64xf32, #tpu.memory_space<vmem_shared>>) dst(%dma_wait3A_14 : memref<632x64xf32, #tpu.memory_space<hbm>>)
      tpu.yield
    }) : () -> ()
    return
  }
}

#map = affine_map<(d0, d1) -> (0, 0)>
#map1 = affine_map<(d0, d1) -> (0, 0, 0, 0)>
#map2 = affine_map<(d0, d1) -> (0, 0, 0)>
module attributes {stable_mosaic.version = 14 : i64} {
  func.func @seg(%arg0: i32, %arg1: i32, %arg2: memref<10000x128xf32, #tpu.memory_space<hbm>>, %arg3: memref<32x79x2x128xi32, #tpu.memory_space<hbm>>, %arg4: memref<10112x128xf32, #tpu.memory_space<hbm>>, %arg5: memref<2x10112x128xf32, #tpu.memory_space<hbm>>, %arg6: memref<2x128xi32, #tpu.memory_space<vmem>>, %arg7: memref<128x128xf32, #tpu.memory_space<vmem>>, %arg8: memref<10112x128xf32, #tpu.memory_space<vmem_shared>>, %arg9: memref<!tpu.dma_semaphore, #tpu.memory_space<semaphore_mem>>) attributes {dimension_semantics = [#tpu.dimension_semantics<core_parallel>, #tpu.dimension_semantics<subcore_parallel>], iteration_bounds = array<i64: 2, 16>, scalar_prefetch = 0 : i64, scratch_operands = 4 : i64, tpu.core_type = #tpu.core_type<sc_vector_subcore>, window_params = [{transform_indices = #map}, {transform_indices = #map1}, {transform_indices = #map}, {transform_indices = #map2}]} {
    %mul3A = arith.constant 2 : i32
    %mul3A_0 = arith.muli %arg1, %mul3A : i32
    %add3A = arith.addi %mul3A_0, %arg0 : i32
    %mul3A_1 = arith.constant 632 : i32
    %mul3A_2 = arith.muli %arg1, %mul3A_1 : i32
    %multiple_of3A = tpu.assume_multiple %mul3A_2, 8 : i32
    "tpu.region"() ({
      %run_scoped3A = tpu.sem_alloc : memref<!tpu.dma_semaphore, #tpu.memory_space<semaphore_mem>>
      %dma_start3A = arith.constant 0 : i32
      %dma_start3A_9 = tpu.memref_slice %arg8[%multiple_of3A, %dma_start3A] : memref<10112x128xf32, #tpu.memory_space<vmem_shared>> -> memref<632x128xf32, #tpu.memory_space<vmem_shared>>
      %dma_start3A_10 = arith.constant 0 : i32
      %dma_start3A_11 = tpu.memref_slice %arg4[%multiple_of3A, %dma_start3A_10] : memref<10112x128xf32, #tpu.memory_space<hbm>> -> memref<632x128xf32, #tpu.memory_space<hbm>>
      tpu.enqueue_dma source(%dma_start3A_11 : memref<632x128xf32, #tpu.memory_space<hbm>>) target(%dma_start3A_9 : memref<632x128xf32, #tpu.memory_space<vmem_shared>>) target_semaphore(%run_scoped3A : memref<!tpu.dma_semaphore, #tpu.memory_space<semaphore_mem>>)
      %dma_wait3A = arith.constant 0 : i32
      %dma_wait3A_12 = tpu.memref_slice %arg8[%multiple_of3A, %dma_wait3A] : memref<10112x128xf32, #tpu.memory_space<vmem_shared>> -> memref<632x128xf32, #tpu.memory_space<vmem_shared>>
      %dma_wait3A_13 = arith.constant 0 : i32
      %dma_wait3A_14 = tpu.memref_slice %arg4[%multiple_of3A, %dma_wait3A_13] : memref<10112x128xf32, #tpu.memory_space<hbm>> -> memref<632x128xf32, #tpu.memory_space<hbm>>
      tpu.wait_dma2 semaphore(%run_scoped3A : memref<!tpu.dma_semaphore, #tpu.memory_space<semaphore_mem>>) src(%dma_wait3A_14 : memref<632x128xf32, #tpu.memory_space<hbm>>) dst(%dma_wait3A_12 : memref<632x128xf32, #tpu.memory_space<vmem_shared>>)
      tpu.yield
    }) : () -> ()
    %barrier3A = arith.constant 0 : index
    tpu.barrier barrier_id(%barrier3A)
    %scan3A = arith.constant 0 : i32
    %scan3A_3 = arith.constant 0 : i32
    %scan3A_4 = arith.constant 79 : i32
    %scan3A_5 = arith.addi %scan3A_3, %scan3A_4 : i32
    %scan3A_6 = arith.constant 1 : i32
    scf.for %scan3A_9 = %scan3A_3 to %scan3A_5 step %scan3A_6  : i32 {
      "tpu.region"() ({
        %run_scoped3A_22 = tpu.sem_alloc : memref<!tpu.dma_semaphore, #tpu.memory_space<semaphore_mem>>
        %dma_start3A_23 = arith.constant 0 : i32
        %dma_start3A_24 = arith.constant 0 : i32
        %dma_start3A_25 = tpu.memref_slice %arg3[%add3A, %scan3A_9, %dma_start3A_23, %dma_start3A_24] : memref<32x79x2x128xi32, #tpu.memory_space<hbm>> -> memref<1x1x2x128xi32, #tpu.memory_space<hbm>>
        %dma_start3A_26 = tpu.memref_squeeze %dma_start3A_25 : memref<1x1x2x128xi32, #tpu.memory_space<hbm>> -> memref<2x128xi32, #tpu.memory_space<hbm>>
        %dma_start3A_27 = arith.constant 0 : i32
        %dma_start3A_28 = arith.constant 0 : i32
        %dma_start3A_29 = tpu.memref_slice %arg3[%add3A, %scan3A_9, %dma_start3A_27, %dma_start3A_28] : memref<32x79x2x128xi32, #tpu.memory_space<hbm>> -> memref<1x1x2x128xi32, #tpu.memory_space<hbm>>
        %dma_start3A_30 = tpu.memref_squeeze %dma_start3A_29 : memref<1x1x2x128xi32, #tpu.memory_space<hbm>> -> memref<2x128xi32, #tpu.memory_space<hbm>>
        tpu.enqueue_dma source(%dma_start3A_30 : memref<2x128xi32, #tpu.memory_space<hbm>>) target(%arg6 : memref<2x128xi32, #tpu.memory_space<vmem>>) target_semaphore(%run_scoped3A_22 : memref<!tpu.dma_semaphore, #tpu.memory_space<semaphore_mem>>)
        %dma_wait3A_31 = arith.constant 0 : i32
        %dma_wait3A_32 = arith.constant 0 : i32
        %dma_wait3A_33 = tpu.memref_slice %arg3[%add3A, %scan3A_9, %dma_wait3A_31, %dma_wait3A_32] : memref<32x79x2x128xi32, #tpu.memory_space<hbm>> -> memref<1x1x2x128xi32, #tpu.memory_space<hbm>>
        %dma_wait3A_34 = tpu.memref_squeeze %dma_wait3A_33 : memref<1x1x2x128xi32, #tpu.memory_space<hbm>> -> memref<2x128xi32, #tpu.memory_space<hbm>>
        %dma_wait3A_35 = arith.constant 0 : i32
        %dma_wait3A_36 = arith.constant 0 : i32
        %dma_wait3A_37 = tpu.memref_slice %arg3[%add3A, %scan3A_9, %dma_wait3A_35, %dma_wait3A_36] : memref<32x79x2x128xi32, #tpu.memory_space<hbm>> -> memref<1x1x2x128xi32, #tpu.memory_space<hbm>>
        %dma_wait3A_38 = tpu.memref_squeeze %dma_wait3A_37 : memref<1x1x2x128xi32, #tpu.memory_space<hbm>> -> memref<2x128xi32, #tpu.memory_space<hbm>>
        tpu.wait_dma2 semaphore(%run_scoped3A_22 : memref<!tpu.dma_semaphore, #tpu.memory_space<semaphore_mem>>) src(%dma_wait3A_38 : memref<2x128xi32, #tpu.memory_space<hbm>>) dst(%arg6 : memref<2x128xi32, #tpu.memory_space<vmem>>)
        tpu.yield
      }) : () -> ()
      %dma_start3A = arith.constant 0 : i32
      %dma_start3A_10 = arith.constant 0 : i32
      %dma_start3A_11 = tpu.memref_slice %arg6[%dma_start3A, %dma_start3A_10] : memref<2x128xi32, #tpu.memory_space<vmem>> -> memref<1x128xi32, #tpu.memory_space<vmem>>
      %dma_start3A_12 = tpu.memref_squeeze %dma_start3A_11 : memref<1x128xi32, #tpu.memory_space<vmem>> -> memref<128xi32, #tpu.memory_space<vmem>>
      %dma_start3A_13 = arith.constant 0 : i32
      %dma_start3A_14 = arith.constant 0 : i32
      %dma_start3A_15 = tpu.memref_slice %arg2[%dma_start3A_13, %dma_start3A_14] : memref<10000x128xf32, #tpu.memory_space<hbm>> -> memref<10000x128xf32, #tpu.memory_space<hbm>>
      tpu.enqueue_indirect_dma source(%dma_start3A_15 : memref<10000x128xf32, #tpu.memory_space<hbm>>) target(%arg7 : memref<128x128xf32, #tpu.memory_space<vmem>>) offsets(%dma_start3A_12 : memref<128xi32, #tpu.memory_space<vmem>>) semaphore(%arg9 : memref<!tpu.dma_semaphore, #tpu.memory_space<semaphore_mem>>)
      %dma_wait3A = arith.constant 0 : i32
      %dma_wait3A_16 = arith.constant 0 : i32
      %dma_wait3A_17 = tpu.memref_slice %arg6[%dma_wait3A, %dma_wait3A_16] : memref<2x128xi32, #tpu.memory_space<vmem>> -> memref<1x128xi32, #tpu.memory_space<vmem>>
      %dma_wait3A_18 = tpu.memref_squeeze %dma_wait3A_17 : memref<1x128xi32, #tpu.memory_space<vmem>> -> memref<128xi32, #tpu.memory_space<vmem>>
      %dma_wait3A_19 = arith.constant 0 : i32
      %dma_wait3A_20 = arith.constant 0 : i32
      %dma_wait3A_21 = tpu.memref_slice %arg2[%dma_wait3A_19, %dma_wait3A_20] : memref<10000x128xf32, #tpu.memory_space<hbm>> -> memref<10000x128xf32, #tpu.memory_space<hbm>>
      tpu.wait_indirect_dma semaphore(%arg9 : memref<!tpu.dma_semaphore, #tpu.memory_space<semaphore_mem>>) src(%dma_wait3A_21 : memref<10000x128xf32, #tpu.memory_space<hbm>>) dst(%arg7 : memref<128x128xf32, #tpu.memory_space<vmem>>)
      %run_scoped3A = arith.constant 1 : i32
      "tpu.region"() ({
        %run_scoped3A_22 = tpu.sem_alloc : memref<!tpu.dma_semaphore, #tpu.memory_space<semaphore_mem>>
        %dma_start3A_23 = arith.constant 0 : i32
        %dma_start3A_24 = tpu.memref_slice %arg6[%run_scoped3A, %dma_start3A_23] : memref<2x128xi32, #tpu.memory_space<vmem>> -> memref<1x128xi32, #tpu.memory_space<vmem>>
        %dma_start3A_25 = tpu.memref_squeeze %dma_start3A_24 : memref<1x128xi32, #tpu.memory_space<vmem>> -> memref<128xi32, #tpu.memory_space<vmem>>
        %dma_start3A_26 = arith.constant 0 : i32
        %dma_start3A_27 = arith.constant 0 : i32
        %dma_start3A_28 = tpu.memref_slice %arg8[%dma_start3A_26, %dma_start3A_27] : memref<10112x128xf32, #tpu.memory_space<vmem_shared>> -> memref<10112x128xf32, #tpu.memory_space<vmem_shared>>
        tpu.enqueue_indirect_dma source(%arg7 : memref<128x128xf32, #tpu.memory_space<vmem>>) target(%dma_start3A_28 : memref<10112x128xf32, #tpu.memory_space<vmem_shared>>) offsets(%dma_start3A_25 : memref<128xi32, #tpu.memory_space<vmem>>) semaphore(%run_scoped3A_22 : memref<!tpu.dma_semaphore, #tpu.memory_space<semaphore_mem>>) {add = true}
        %dma_wait3A_29 = arith.constant 0 : i32
        %dma_wait3A_30 = tpu.memref_slice %arg6[%run_scoped3A, %dma_wait3A_29] : memref<2x128xi32, #tpu.memory_space<vmem>> -> memref<1x128xi32, #tpu.memory_space<vmem>>
        %dma_wait3A_31 = tpu.memref_squeeze %dma_wait3A_30 : memref<1x128xi32, #tpu.memory_space<vmem>> -> memref<128xi32, #tpu.memory_space<vmem>>
        %dma_wait3A_32 = arith.constant 0 : i32
        %dma_wait3A_33 = arith.constant 0 : i32
        %dma_wait3A_34 = tpu.memref_slice %arg8[%dma_wait3A_32, %dma_wait3A_33] : memref<10112x128xf32, #tpu.memory_space<vmem_shared>> -> memref<10112x128xf32, #tpu.memory_space<vmem_shared>>
        tpu.wait_indirect_dma semaphore(%run_scoped3A_22 : memref<!tpu.dma_semaphore, #tpu.memory_space<semaphore_mem>>) src(%arg7 : memref<128x128xf32, #tpu.memory_space<vmem>>) dst(%dma_wait3A_34 : memref<10112x128xf32, #tpu.memory_space<vmem_shared>>)
        tpu.yield
      }) : () -> ()
    }
    %scan3A_7 = arith.constant 79 : i32
    %barrier3A_8 = arith.constant 0 : index
    tpu.barrier barrier_id(%barrier3A_8)
    "tpu.region"() ({
      %run_scoped3A = tpu.sem_alloc : memref<!tpu.dma_semaphore, #tpu.memory_space<semaphore_mem>>
      %dma_start3A = arith.constant 0 : i32
      %dma_start3A_9 = tpu.memref_slice %arg5[%arg0, %multiple_of3A, %dma_start3A] : memref<2x10112x128xf32, #tpu.memory_space<hbm>> -> memref<1x632x128xf32, #tpu.memory_space<hbm>>
      %dma_start3A_10 = tpu.memref_squeeze %dma_start3A_9 : memref<1x632x128xf32, #tpu.memory_space<hbm>> -> memref<632x128xf32, #tpu.memory_space<hbm>>
      %dma_start3A_11 = arith.constant 0 : i32
      %dma_start3A_12 = tpu.memref_slice %arg8[%multiple_of3A, %dma_start3A_11] : memref<10112x128xf32, #tpu.memory_space<vmem_shared>> -> memref<632x128xf32, #tpu.memory_space<vmem_shared>>
      tpu.enqueue_dma source(%dma_start3A_12 : memref<632x128xf32, #tpu.memory_space<vmem_shared>>) target(%dma_start3A_10 : memref<632x128xf32, #tpu.memory_space<hbm>>) target_semaphore(%run_scoped3A : memref<!tpu.dma_semaphore, #tpu.memory_space<semaphore_mem>>)
      %dma_wait3A = arith.constant 0 : i32
      %dma_wait3A_13 = tpu.memref_slice %arg5[%arg0, %multiple_of3A, %dma_wait3A] : memref<2x10112x128xf32, #tpu.memory_space<hbm>> -> memref<1x632x128xf32, #tpu.memory_space<hbm>>
      %dma_wait3A_14 = tpu.memref_squeeze %dma_wait3A_13 : memref<1x632x128xf32, #tpu.memory_space<hbm>> -> memref<632x128xf32, #tpu.memory_space<hbm>>
      %dma_wait3A_15 = arith.constant 0 : i32
      %dma_wait3A_16 = tpu.memref_slice %arg8[%multiple_of3A, %dma_wait3A_15] : memref<10112x128xf32, #tpu.memory_space<vmem_shared>> -> memref<632x128xf32, #tpu.memory_space<vmem_shared>>
      tpu.wait_dma2 semaphore(%run_scoped3A : memref<!tpu.dma_semaphore, #tpu.memory_space<semaphore_mem>>) src(%dma_wait3A_16 : memref<632x128xf32, #tpu.memory_space<vmem_shared>>) dst(%dma_wait3A_14 : memref<632x128xf32, #tpu.memory_space<hbm>>)
      tpu.yield
    }) : () -> ()
    return
  }
}

module attributes {stable_mosaic.version = 14 : i64} {
  func.func @_mid_body(%arg0: memref<10000x128xf32, #tpu.memory_space<vmem>>, %arg1: memref<2x10112x128xf32, #tpu.memory_space<vmem>>, %arg2: memref<1x32xf32, #tpu.memory_space<vmem>>, %arg3: memref<128x32xf32, #tpu.memory_space<vmem>>, %arg4: memref<32x64xf32, #tpu.memory_space<vmem>>, %arg5: memref<1x64xf32, #tpu.memory_space<vmem>>, %arg6: memref<1x64xf32, #tpu.memory_space<vmem>>, %arg7: memref<1x64xf32, #tpu.memory_space<vmem>>, %arg8: memref<10000x64xf32, #tpu.memory_space<vmem>>) attributes {dimension_semantics = [], scalar_prefetch = 0 : i64, scratch_operands = 0 : i64, tpu.core_type = #tpu.core_type<tc>} {
    %get3A = arith.constant 0 : index
    %get3A_0 = arith.constant 0 : index
    %get3A_1 = vector.load %arg0[%get3A, %get3A_0] : memref<10000x128xf32, #tpu.memory_space<vmem>>, vector<10000x128xf32>
    %get3A_2 = arith.constant 0 : index
    %get3A_3 = arith.constant 0 : index
    %get3A_4 = arith.constant 0 : index
    %get3A_5 = vector.load %arg1[%get3A_2, %get3A_3, %get3A_4] : memref<2x10112x128xf32, #tpu.memory_space<vmem>>, vector<1x10000x128xf32>
    %get3A_6 = vector.shape_cast %get3A_5 : vector<1x10000x128xf32> to vector<10000x128xf32>
    %add3A = arith.addf %get3A_1, %get3A_6 : vector<10000x128xf32>
    %get3A_7 = arith.constant 1 : index
    %get3A_8 = arith.constant 0 : index
    %get3A_9 = arith.constant 0 : index
    %get3A_10 = vector.load %arg1[%get3A_7, %get3A_8, %get3A_9] : memref<2x10112x128xf32, #tpu.memory_space<vmem>>, vector<1x10000x128xf32>
    %get3A_11 = vector.shape_cast %get3A_10 : vector<1x10000x128xf32> to vector<10000x128xf32>
    %add3A_12 = arith.addf %add3A, %get3A_11 : vector<10000x128xf32>
    %get3A_13 = arith.constant 0 : index
    %get3A_14 = arith.constant 0 : index
    %get3A_15 = vector.load %arg3[%get3A_13, %get3A_14] : memref<128x32xf32, #tpu.memory_space<vmem>>, vector<128x32xf32>
    %dot_general3A = arith.constant dense<0.000000e+00> : vector<10000x32xf32>
    %dot_general3A_16 = tpu.matmul %add3A_12, %get3A_15, %dot_general3A {dimension_numbers = #tpu.dot_dimension_numbers<[1], [0], [0], [1], [0, 0, 1, 1], [], []>, transpose_lhs_hint = false} : vector<10000x128xf32>, vector<128x32xf32>, vector<10000x32xf32> -> vector<10000x32xf32>
    %get3A_17 = arith.constant 0 : index
    %get3A_18 = arith.constant 0 : index
    %get3A_19 = vector.load %arg2[%get3A_17, %get3A_18] : memref<1x32xf32, #tpu.memory_space<vmem>>, vector<1x32xf32>
    %add3A_20 = vector.broadcast %get3A_19 : vector<1x32xf32> to vector<10000x32xf32>
    %add3A_21 = arith.addf %dot_general3A_16, %add3A_20 : vector<10000x32xf32>
    %max3A = arith.constant 0.000000e+00 : f32
    %max3A_22 = vector.broadcast %max3A : f32 to vector<10000x32xf32>
    %max3A_23 = arith.maximumf %add3A_21, %max3A_22 : vector<10000x32xf32>
    %get3A_24 = arith.constant 0 : index
    %get3A_25 = arith.constant 0 : index
    %get3A_26 = vector.load %arg4[%get3A_24, %get3A_25] : memref<32x64xf32, #tpu.memory_space<vmem>>, vector<32x64xf32>
    %dot_general3A_27 = arith.constant dense<0.000000e+00> : vector<10000x64xf32>
    %dot_general3A_28 = tpu.matmul %max3A_23, %get3A_26, %dot_general3A_27 {dimension_numbers = #tpu.dot_dimension_numbers<[1], [0], [0], [1], [0, 0, 1, 1], [], []>, transpose_lhs_hint = false} : vector<10000x32xf32>, vector<32x64xf32>, vector<10000x64xf32> -> vector<10000x64xf32>
    %get3A_29 = arith.constant 0 : index
    %get3A_30 = arith.constant 0 : index
    %get3A_31 = vector.load %arg5[%get3A_29, %get3A_30] : memref<1x64xf32, #tpu.memory_space<vmem>>, vector<1x64xf32>
    %add3A_32 = vector.broadcast %get3A_31 : vector<1x64xf32> to vector<10000x64xf32>
    %add3A_33 = arith.addf %dot_general3A_28, %add3A_32 : vector<10000x64xf32>
    %max3A_34 = arith.constant 0.000000e+00 : f32
    %max3A_35 = vector.broadcast %max3A_34 : f32 to vector<10000x64xf32>
    %max3A_36 = arith.maximumf %add3A_33, %max3A_35 : vector<10000x64xf32>
    %reduce_sum3A = arith.constant dense<0.000000e+00> : vector<64xf32>
    %reduce_sum3A_37 = vector.multi_reduction <add>, %max3A_36, %reduce_sum3A [0] : vector<10000x64xf32> to vector<64xf32>
    %broadcast_in_dim3A = vector.shape_cast %reduce_sum3A_37 : vector<64xf32> to vector<1x64xf32>
    %div3A = arith.constant 1.000000e+04 : f32
    %div3A_38 = vector.broadcast %div3A : f32 to vector<1x64xf32>
    %div3A_39 = arith.divf %broadcast_in_dim3A, %div3A_38 : vector<1x64xf32>
    %sub3A = vector.broadcast %div3A_39 : vector<1x64xf32> to vector<10000x64xf32>
    %sub3A_40 = arith.subf %max3A_36, %sub3A : vector<10000x64xf32>
    %sub3A_41 = vector.broadcast %div3A_39 : vector<1x64xf32> to vector<10000x64xf32>
    %sub3A_42 = arith.subf %max3A_36, %sub3A_41 : vector<10000x64xf32>
    %mul3A = arith.mulf %sub3A_40, %sub3A_42 : vector<10000x64xf32>
    %reduce_sum3A_43 = arith.constant dense<0.000000e+00> : vector<64xf32>
    %reduce_sum3A_44 = vector.multi_reduction <add>, %mul3A, %reduce_sum3A_43 [0] : vector<10000x64xf32> to vector<64xf32>
    %broadcast_in_dim3A_45 = vector.shape_cast %reduce_sum3A_44 : vector<64xf32> to vector<1x64xf32>
    %div3A_46 = arith.constant 1.000000e+04 : f32
    %div3A_47 = vector.broadcast %div3A_46 : f32 to vector<1x64xf32>
    %div3A_48 = arith.divf %broadcast_in_dim3A_45, %div3A_47 : vector<1x64xf32>
    %get3A_49 = arith.constant 0 : index
    %get3A_50 = arith.constant 0 : index
    %get3A_51 = vector.load %arg6[%get3A_49, %get3A_50] : memref<1x64xf32, #tpu.memory_space<vmem>>, vector<1x64xf32>
    %sub3A_52 = vector.broadcast %div3A_39 : vector<1x64xf32> to vector<10000x64xf32>
    %sub3A_53 = arith.subf %max3A_36, %sub3A_52 : vector<10000x64xf32>
    %mul3A_54 = vector.broadcast %get3A_51 : vector<1x64xf32> to vector<10000x64xf32>
    %mul3A_55 = arith.mulf %mul3A_54, %sub3A_53 : vector<10000x64xf32>
    %add3A_56 = arith.constant 9.99999974E-6 : f32
    %add3A_57 = vector.broadcast %add3A_56 : f32 to vector<1x64xf32>
    %add3A_58 = arith.addf %div3A_48, %add3A_57 : vector<1x64xf32>
    %sqrt3A = math.sqrt %add3A_58 : vector<1x64xf32>
    %div3A_59 = vector.broadcast %sqrt3A : vector<1x64xf32> to vector<10000x64xf32>
    %div3A_60 = arith.divf %mul3A_55, %div3A_59 : vector<10000x64xf32>
    %get3A_61 = arith.constant 0 : index
    %get3A_62 = arith.constant 0 : index
    %get3A_63 = vector.load %arg7[%get3A_61, %get3A_62] : memref<1x64xf32, #tpu.memory_space<vmem>>, vector<1x64xf32>
    %add3A_64 = vector.broadcast %get3A_63 : vector<1x64xf32> to vector<10000x64xf32>
    %add3A_65 = arith.addf %div3A_60, %add3A_64 : vector<10000x64xf32>
    %swap3A = arith.constant 0 : index
    %swap3A_66 = arith.constant 0 : index
    %swap3A_67 = vector.load %arg8[%swap3A, %swap3A_66] : memref<10000x64xf32, #tpu.memory_space<vmem>>, vector<10000x64xf32>
    tpu.vector_store %arg8[%swap3A, %swap3A_66], %add3A_65 {strides = array<i32>} : memref<10000x64xf32, #tpu.memory_space<vmem>>, vector<10000x64xf32>,
    return
  }
}

module attributes {stable_mosaic.version = 14 : i64} {
  func.func @_fin_body(%arg0: memref<10000x64xf32, #tpu.memory_space<vmem>>, %arg1: memref<2x10112x64xf32, #tpu.memory_space<vmem>>, %arg2: memref<1x64xf32, #tpu.memory_space<vmem>>, %arg3: memref<64x64xf32, #tpu.memory_space<vmem>>, %arg4: memref<64x64xf32, #tpu.memory_space<vmem>>, %arg5: memref<1x64xf32, #tpu.memory_space<vmem>>, %arg6: memref<1x64xf32, #tpu.memory_space<vmem>>, %arg7: memref<1x64xf32, #tpu.memory_space<vmem>>, %arg8: memref<10000x1xi32, #tpu.memory_space<vmem>>, %arg9: memref<64x64xf32, #tpu.memory_space<vmem>>) attributes {dimension_semantics = [], scalar_prefetch = 0 : i64, scratch_operands = 0 : i64, tpu.core_type = #tpu.core_type<tc>} {
    %get3A = arith.constant 0 : index
    %get3A_0 = arith.constant 0 : index
    %get3A_1 = vector.load %arg0[%get3A, %get3A_0] : memref<10000x64xf32, #tpu.memory_space<vmem>>, vector<10000x64xf32>
    %get3A_2 = arith.constant 0 : index
    %get3A_3 = arith.constant 0 : index
    %get3A_4 = arith.constant 0 : index
    %get3A_5 = vector.load %arg1[%get3A_2, %get3A_3, %get3A_4] : memref<2x10112x64xf32, #tpu.memory_space<vmem>>, vector<1x10000x64xf32>
    %get3A_6 = vector.shape_cast %get3A_5 : vector<1x10000x64xf32> to vector<10000x64xf32>
    %add3A = arith.addf %get3A_1, %get3A_6 : vector<10000x64xf32>
    %get3A_7 = arith.constant 1 : index
    %get3A_8 = arith.constant 0 : index
    %get3A_9 = arith.constant 0 : index
    %get3A_10 = vector.load %arg1[%get3A_7, %get3A_8, %get3A_9] : memref<2x10112x64xf32, #tpu.memory_space<vmem>>, vector<1x10000x64xf32>
    %get3A_11 = vector.shape_cast %get3A_10 : vector<1x10000x64xf32> to vector<10000x64xf32>
    %add3A_12 = arith.addf %add3A, %get3A_11 : vector<10000x64xf32>
    %get3A_13 = arith.constant 0 : index
    %get3A_14 = arith.constant 0 : index
    %get3A_15 = vector.load %arg3[%get3A_13, %get3A_14] : memref<64x64xf32, #tpu.memory_space<vmem>>, vector<64x64xf32>
    %dot_general3A = arith.constant dense<0.000000e+00> : vector<10000x64xf32>
    %dot_general3A_16 = tpu.matmul %add3A_12, %get3A_15, %dot_general3A {dimension_numbers = #tpu.dot_dimension_numbers<[1], [0], [0], [1], [0, 0, 1, 1], [], []>, transpose_lhs_hint = false} : vector<10000x64xf32>, vector<64x64xf32>, vector<10000x64xf32> -> vector<10000x64xf32>
    %get3A_17 = arith.constant 0 : index
    %get3A_18 = arith.constant 0 : index
    %get3A_19 = vector.load %arg2[%get3A_17, %get3A_18] : memref<1x64xf32, #tpu.memory_space<vmem>>, vector<1x64xf32>
    %add3A_20 = vector.broadcast %get3A_19 : vector<1x64xf32> to vector<10000x64xf32>
    %add3A_21 = arith.addf %dot_general3A_16, %add3A_20 : vector<10000x64xf32>
    %max3A = arith.constant 0.000000e+00 : f32
    %max3A_22 = vector.broadcast %max3A : f32 to vector<10000x64xf32>
    %max3A_23 = arith.maximumf %add3A_21, %max3A_22 : vector<10000x64xf32>
    %get3A_24 = arith.constant 0 : index
    %get3A_25 = arith.constant 0 : index
    %get3A_26 = vector.load %arg4[%get3A_24, %get3A_25] : memref<64x64xf32, #tpu.memory_space<vmem>>, vector<64x64xf32>
    %dot_general3A_27 = arith.constant dense<0.000000e+00> : vector<10000x64xf32>
    %dot_general3A_28 = tpu.matmul %max3A_23, %get3A_26, %dot_general3A_27 {dimension_numbers = #tpu.dot_dimension_numbers<[1], [0], [0], [1], [0, 0, 1, 1], [], []>, transpose_lhs_hint = false} : vector<10000x64xf32>, vector<64x64xf32>, vector<10000x64xf32> -> vector<10000x64xf32>
    %get3A_29 = arith.constant 0 : index
    %get3A_30 = arith.constant 0 : index
    %get3A_31 = vector.load %arg5[%get3A_29, %get3A_30] : memref<1x64xf32, #tpu.memory_space<vmem>>, vector<1x64xf32>
    %add3A_32 = vector.broadcast %get3A_31 : vector<1x64xf32> to vector<10000x64xf32>
    %add3A_33 = arith.addf %dot_general3A_28, %add3A_32 : vector<10000x64xf32>
    %max3A_34 = arith.constant 0.000000e+00 : f32
    %max3A_35 = vector.broadcast %max3A_34 : f32 to vector<10000x64xf32>
    %max3A_36 = arith.maximumf %add3A_33, %max3A_35 : vector<10000x64xf32>
    %reduce_sum3A = arith.constant dense<0.000000e+00> : vector<64xf32>
    %reduce_sum3A_37 = vector.multi_reduction <add>, %max3A_36, %reduce_sum3A [0] : vector<10000x64xf32> to vector<64xf32>
    %broadcast_in_dim3A = vector.shape_cast %reduce_sum3A_37 : vector<64xf32> to vector<1x64xf32>
    %div3A = arith.constant 1.000000e+04 : f32
    %div3A_38 = vector.broadcast %div3A : f32 to vector<1x64xf32>
    %div3A_39 = arith.divf %broadcast_in_dim3A, %div3A_38 : vector<1x64xf32>
    %sub3A = vector.broadcast %div3A_39 : vector<1x64xf32> to vector<10000x64xf32>
    %sub3A_40 = arith.subf %max3A_36, %sub3A : vector<10000x64xf32>
    %sub3A_41 = vector.broadcast %div3A_39 : vector<1x64xf32> to vector<10000x64xf32>
    %sub3A_42 = arith.subf %max3A_36, %sub3A_41 : vector<10000x64xf32>
    %mul3A = arith.mulf %sub3A_40, %sub3A_42 : vector<10000x64xf32>
    %reduce_sum3A_43 = arith.constant dense<0.000000e+00> : vector<64xf32>
    %reduce_sum3A_44 = vector.multi_reduction <add>, %mul3A, %reduce_sum3A_43 [0] : vector<10000x64xf32> to vector<64xf32>
    %broadcast_in_dim3A_45 = vector.shape_cast %reduce_sum3A_44 : vector<64xf32> to vector<1x64xf32>
    %div3A_46 = arith.constant 1.000000e+04 : f32
    %div3A_47 = vector.broadcast %div3A_46 : f32 to vector<1x64xf32>
    %div3A_48 = arith.divf %broadcast_in_dim3A_45, %div3A_47 : vector<1x64xf32>
    %get3A_49 = arith.constant 0 : index
    %get3A_50 = arith.constant 0 : index
    %get3A_51 = vector.load %arg6[%get3A_49, %get3A_50] : memref<1x64xf32, #tpu.memory_space<vmem>>, vector<1x64xf32>
    %sub3A_52 = vector.broadcast %div3A_39 : vector<1x64xf32> to vector<10000x64xf32>
    %sub3A_53 = arith.subf %max3A_36, %sub3A_52 : vector<10000x64xf32>
    %mul3A_54 = vector.broadcast %get3A_51 : vector<1x64xf32> to vector<10000x64xf32>
    %mul3A_55 = arith.mulf %mul3A_54, %sub3A_53 : vector<10000x64xf32>
    %add3A_56 = arith.constant 9.99999974E-6 : f32
    %add3A_57 = vector.broadcast %add3A_56 : f32 to vector<1x64xf32>
    %add3A_58 = arith.addf %div3A_48, %add3A_57 : vector<1x64xf32>
    %sqrt3A = math.sqrt %add3A_58 : vector<1x64xf32>
    %div3A_59 = vector.broadcast %sqrt3A : vector<1x64xf32> to vector<10000x64xf32>
    %div3A_60 = arith.divf %mul3A_55, %div3A_59 : vector<10000x64xf32>
    %get3A_61 = arith.constant 0 : index
    %get3A_62 = arith.constant 0 : index
    %get3A_63 = vector.load %arg7[%get3A_61, %get3A_62] : memref<1x64xf32, #tpu.memory_space<vmem>>, vector<1x64xf32>
    %add3A_64 = vector.broadcast %get3A_63 : vector<1x64xf32> to vector<10000x64xf32>
    %add3A_65 = arith.addf %div3A_60, %add3A_64 : vector<10000x64xf32>
    %iota3A = tpu.iota {dimensions = array<i32: 1>} : vector<10000x64xi32>
    %get3A_66 = arith.constant 0 : index
    %get3A_67 = arith.constant 0 : index
    %get3A_68 = vector.load %arg8[%get3A_66, %get3A_67] : memref<10000x1xi32, #tpu.memory_space<vmem>>, vector<10000x1xi32>
    %eq3A = vector.broadcast %get3A_68 : vector<10000x1xi32> to vector<10000x64xi32>
    %eq3A_69 = arith.cmpi eq, %eq3A, %iota3A : vector<10000x64xi32>
    %convert_element_type3A = arith.extui %eq3A_69 : vector<10000x64xi1> to vector<10000x64xi32>
    %convert_element_type3A_70 = arith.sitofp %convert_element_type3A : vector<10000x64xi32> to vector<10000x64xf32>
    %dot_general3A_71 = arith.constant dense<0.000000e+00> : vector<64x64xf32>
    %dot_general3A_72 = tpu.matmul %convert_element_type3A_70, %add3A_65, %dot_general3A_71 {dimension_numbers = #tpu.dot_dimension_numbers<[0], [0], [1], [1], [0, 1, 1, 1], [], []>, precision = #tpu.contract_precision<fp32>, transpose_lhs_hint = false} : vector<10000x64xf32>, vector<10000x64xf32>, vector<64x64xf32> -> vector<64x64xf32>
    %broadcast_in_dim3A_73 = arith.constant 1.000000e+00 : f32
    %broadcast_in_dim3A_74 = vector.broadcast %broadcast_in_dim3A_73 : f32 to vector<10000x1xf32>
    %dot_general3A_75 = arith.constant dense<0.000000e+00> : vector<64x1xf32>
    %dot_general3A_76 = tpu.matmul %convert_element_type3A_70, %broadcast_in_dim3A_74, %dot_general3A_75 {dimension_numbers = #tpu.dot_dimension_numbers<[0], [0], [1], [1], [0, 1, 1, 1], [], []>, precision = #tpu.contract_precision<fp32>, transpose_lhs_hint = false} : vector<10000x64xf32>, vector<10000x1xf32>, vector<64x1xf32> -> vector<64x1xf32>
    %max3A_77 = arith.constant 1.000000e+00 : f32
    %max3A_78 = vector.broadcast %max3A_77 : f32 to vector<64x1xf32>
    %max3A_79 = arith.maximumf %dot_general3A_76, %max3A_78 : vector<64x1xf32>
    %div3A_80 = vector.broadcast %max3A_79 : vector<64x1xf32> to vector<64x64xf32>
    %div3A_81 = arith.divf %dot_general3A_72, %div3A_80 : vector<64x64xf32>
    %swap3A = arith.constant 0 : index
    %swap3A_82 = arith.constant 0 : index
    %swap3A_83 = vector.load %arg9[%swap3A, %swap3A_82] : memref<64x64xf32, #tpu.memory_space<vmem>>, vector<64x64xf32>
    tpu.vector_store %arg9[%swap3A, %swap3A_82], %div3A_81 {strides = array<i32>} : memref<64x64xf32, #tpu.memory_space<vmem>>, vector<64x64xf32>,
    return
  }
}

</mosaic_0001>

<sc_bundles>
// kernel: kernel.6.cloned.1.call-start
scs
__scs_entry_jumppad:
0x0: {  	(pc) =	sbr.rel $0x88, $3  }
0x1: {  	(tag) =	ssettag $0x0;
	lr =	simm.s32 $0x1  }
0x2: {  	[smem:$0x3F92] =	sst lr;
	_ =	strace $0xD0000000  }
0x3: {  	_ = 	snop  }
0x4: {  	_ = 	snop  }
0x5: {  	_ = 	snop  }
0x6: {  	_ = 	snop  }
0x7: {  	_ = 	snop  }
__scs_overlays_trampoline_lowered:
0x8: {  	[smem:$0x3FA1] =	sst s0  }
0x9: {  	[smem:$0x3FA2] =	sst s1  }
0xa: {  	[smem:$0x3FA3] =	sst s2  }
0xb: {  	[smem:$0x3FA4] =	sst s3  }
0xc: {  	[smem:$0x3FA5] =	sst s4  }
0xd: {  	[smem:$0x3FA6] =	sst s5  }
0xe: {  	[smem:$0x3FA7] =	sst s6  }
0xf: {  	[smem:$0x3FA8] =	sst s7  }
0x10: {  	[smem:$0x3FA9] =	sst s8  }
0x11: {  	[smem:$0x3FAA] =	sst s9;
	s0 =	simm.s32 @!p0 $0x0  }
0x12: {  	s1 =	sld [smem:$0x3F90];
	s0 =	simm.s32 @p0 $0x1  }
0x13: {  	[smem:$0x3FAB] =	sst s0;
	s0 =	simm.s32 @!p1 $0x0  }
0x14: {  	s2 =	sld [smem:$0x3F8F];
	s0 =	simm.s32 @p1 $0x1  }
0x15: {  	[smem:$0x3FAC] =	sst s0;
	s0 =	simm.s32 @!p2 $0x0  }
0x16: {  	s3 =	sld [smem:$0x3FDB];
	s0 =	simm.s32 @p2 $0x1  }
0x17: {  	s4 =	simm.s32 $0x1BF5;
	[smem:$0x3FAE] =	sst s0  }
0x18: {  	s0 =	sld [smem:$0x3F91];
	_ =	swait.ge [sflag:s4], $0x0  }
0x19: {  	s7 =	sld [smem:$0x3F92]  }
0x1a: {  	s8 =	sadd.s32 $0xFFFFE003, lr  }
0x1b: {  	s9 =	sadd.s32 $0xFFFFFEF7, lr;
	s5 =	simm.s32 $0xFFFFFFFF;
	p2 =	slt.u32 s8, $0xFFFFF086  }
0x1c: {  	p1 =	slt.u32 s9, $0xF7A;
	s5 =	simm.s32 @!p2 $0x0  }
0x1d: {  	s5 =	simm.s32 @p1 $0x1;
	p0 =	seq.s32 s7, s2  }
0x1e: {  	s7 =	smul.u32 @!p0 $0xF7A, s2;
	p2 =	seq.s32 @!p0 s5, $0x0  }
0x1f: {  	s9 =	smul.u32 $0xF7A, s1;
	s8 =	simm.s32 @!p0 $0x1BF5;
	p2 =	por !p2, p0  }
0x20: {  	[sflag:s8] =	ssyncset.s32 @!p0 $0xFFFFF086;
	s6 =	sadd.s32 @!p0 s3, s7;
	s7 =	simm.s32 @!p0 $0x108  }
0x21: {  	s3 =	sadd.s32 s3, s9;
	s6 =	sadd.s32 @!p0 $0x88, s6;
	s7 =	simm.s32 @p2 $0x1082  }
0x22: {  	[simem:s7], [sflag:s8] =	dma.local @!p0 [hbm:s6], $0xF7A  }
0x23: {  	s9 =	sor.u32 $0xD0000000, s2;
	s6 =	simm.s32 $0x108;
	_ =	swait.ge @!p0 [sflag:s8], $0x0  }
0x24: {  	s3 =	sadd.s32 $0x88, s3;
	s6 =	simm.s32 @!p1 $0x1082;
	[sflag:s4] =	ssyncset.s32 $0xFFFFF086  }
0x25: {  	[simem:s6], [sflag:s4] =	dma.local [hbm:s3], $0xF7A  }
0x26: {  	[smem:$0x3F92] =	sst s1;
	(tag) =	ssettag s2;
	_ =	strace s9  }
0x27: {  	s1 =	sld [smem:$0x3FA2]  }
0x28: {  	s2 =	sld [smem:$0x3FA3]  }
0x29: {  	s4 =	sld [smem:$0x3FA5]  }
0x2a: {  	p0 =	seq.s32 s5, $0x0;
	s5 =	sld [smem:$0x3FA6]  }
0x2b: {  	s6 =	sld [smem:$0x3FA7]  }
0x2c: {  	s7 =	sld [smem:$0x3FA8]  }
0x2d: {  	s3 =	simm.s32 $0x108;
	s8 =	sld [smem:$0x3FA9]  }
0x2e: {  	s3 =	simm.s32 @!p0 $0x1082;
	s9 =	sld [smem:$0x3FAA]  }
0x2f: {  	lr =	sadd.s32 s0, s3;
	s0 =	sld [smem:$0x3FA1]  }
0x30: {  	s3 =	sld [smem:$0x3FA4]  }
0x31: {  	[smem:$0x3FAD] =	sst s10  }
0x32: {  	s10 =	sld [smem:$0x3FAB];
	_ =	sdelay $0x3  }
0x33: {  	p0 =	seq.s32 s10, $0x1;
	s10 =	sld [smem:$0x3FAD];
	_ =	sdelay $0x3  }
0x34: {  	[smem:$0x3FAD] =	sst s10  }
0x35: {  	s10 =	sld [smem:$0x3FAC];
	_ =	sdelay $0x3  }
0x36: {  	p1 =	seq.s32 s10, $0x1;
	s10 =	sld [smem:$0x3FAD];
	_ =	sdelay $0x3  }
0x37: {  	[smem:$0x3FAD] =	sst s10  }
0x38: {  	s10 =	sld [smem:$0x3FAE]  }
0x39: {  	_ = 	snop;
	(pc) =	sbr.ind lr, $3  }
0x3a: {  	_ = 	snop  }
0x3b: {  	_ = 	snop  }
0x3c: {  	p2 =	seq.s32 s10, $0x1;
	s10 =	sld [smem:$0x3FAD]  }
0x3d: {  	_ =	shalt  }
0x3e: {  	_ =	shalt  }
0x3f: {  	_ =	shalt  }
0x40: {  	_ =	shalt  }
0x41: {  	_ =	shalt  }
0x42: {  	_ =	shalt  }
0x43: {  	_ =	shalt  }
0x44: {  	_ =	shalt  }
0x45: {  	_ =	shalt  }
0x46: {  	_ =	shalt  }
0x47: {  	_ =	shalt  }
0x48: {  	_ =	shalt  }
0x49: {  	_ =	shalt  }
0x4a: {  	_ =	shalt  }
0x4b: {  	_ =	shalt  }
0x4c: {  	_ =	shalt  }
0x4d: {  	_ =	shalt  }
0x4e: {  	_ =	shalt  }
0x4f: {  	_ =	shalt  }
0x50: {  	_ =	shalt  }
0x51: {  	_ =	shalt  }
0x52: {  	_ =	shalt  }
0x53: {  	_ =	shalt  }
0x54: {  	_ =	shalt  }
0x55: {  	_ =	shalt  }
0x56: {  	_ =	shalt  }
0x57: {  	_ =	shalt  }
0x58: {  	_ =	shalt  }
0x59: {  	_ =	shalt  }
0x5a: {  	_ =	shalt  }
0x5b: {  	_ =	shalt  }
0x5c: {  	_ =	shalt  }
0x5d: {  	_ =	shalt  }
0x5e: {  	_ =	shalt  }
0x5f: {  	_ =	shalt  }
0x60: {  	_ =	shalt  }
0x61: {  	_ =	shalt  }
0x62: {  	_ =	shalt  }
0x63: {  	_ =	shalt  }
0x64: {  	_ =	shalt  }
0x65: {  	_ =	shalt  }
0x66: {  	_ =	shalt  }
0x67: {  	_ =	shalt  }
0x68: {  	_ =	shalt  }
0x69: {  	_ =	shalt  }
0x6a: {  	_ =	shalt  }
0x6b: {  	_ =	shalt  }
0x6c: {  	_ =	shalt  }
0x6d: {  	_ =	shalt  }
0x6e: {  	_ =	shalt  }
0x6f: {  	_ =	shalt  }
0x70: {  	_ =	shalt  }
0x71: {  	_ =	shalt  }
0x72: {  	_ =	shalt  }
0x73: {  	_ =	shalt  }
0x74: {  	_ =	shalt  }
0x75: {  	_ =	shalt  }
0x76: {  	_ =	shalt  }
0x77: {  	_ =	shalt  }
0x78: {  	_ =	shalt  }
0x79: {  	_ =	shalt  }
0x7a: {  	_ =	shalt  }
0x7b: {  	_ =	shalt  }
0x7c: {  	_ =	shalt  }
0x7d: {  	_ =	shalt  }
0x7e: {  	_ =	shalt  }
0x7f: {  	_ =	shalt  }
0x80: {  	_ =	shalt  }
0x81: {  	_ =	shalt  }
0x82: {  	_ =	shalt  }
0x83: {  	_ =	shalt  }
0x84: {  	_ =	shalt  }
0x85: {  	_ =	shalt  }
0x86: {  	_ =	shalt  }
0x87: {  	_ =	shalt  }
.Lfunc_end0:
.L_simem_size_0:
called_computation_lowered:
.L_overlay_start_0:
0x88: {  	s2 =	sld [smem:$0x3FD9]  }
0x89: {  	s3 =	sld [smem:$0x3FFE];
	_ =	sdelay $0x1  }
0x8a: {  	s1 =	srdreg.scid  }
0x8b: {  	s0 =	sand.u32 $0x1, s1  }
0x8c: {  	s17 =	sshll.u32 s0, $0xA;
	s2 =	sadd.s32 s3, s2  }
0x8d: {  	s2 =	sadd.s32 s2, s17  }
0x8e: {  	[smem:$0x3FB9] =	sst s2  }
0x8f: {  	_ = 	snop  }
0x90: {  	s2 =	sld [smem:$0x3FC9];
	(tm) =	ssettm $0x1  }
0x91: {  	s18 =	sld [smem:$0x3FFB];
	_ =	sdelay $0x3  }
0x92: {  	_ =	strace s18  }
0x93: {  	s3 =	sld [smem:$0x3FFC];
	_ =	sdelay $0x3  }
0x94: {  	_ =	strace s3  }
0x95: {  	s3 =	sld [smem:$0x3FFD];
	_ =	sdelay $0x3  }
0x96: {  	_ =	strace s3  }
0x97: {  	_ =	strace $0x8FFFFFFF  }
0x98: {  	s19 =	sld [smem:$0x3FDB];
	_ =	sdelay $0x1  }
0x99: {  	s4 =	simm.s32 $_scs_section_size  }
0x9a: {  	s5 =	simm.s32 $_size__tile_overlayer_lowered;
	s6 =	simm.s32 $_tile_overlayer_lowered  }
0x9b: {  	s22 =	simm.s32 $0x1BFF;
	s21 =	sshll.u32 s6, $0x1;
	s3 =	sadd.s32 s4, s19  }
0x9c: {  	s7 =	simm.s32 $0x0;
	s20 =	sshll.u32 s5, $0x1;
	s5 =	sadd.s32 s21, s3  }
0x9d: {  	[timem:s7], [sflag:s22] =	dma.local [hbm:s5], s20  }
0x9e: {  	_ =	swait.ge [sflag:s22], s20  }
0x9f: {  	s4 =	ssub.s32 $0x0, s20;
	[sflag:s22] =	ssyncset.done $0x0  }
0xa0: {  	[sflag:s22] =	ssyncadd.s32 s4;
	_ =	sdelay $0x1  }
0xa1: {  	s23 =	simm.s32 $0x1B8B  }
0xa2: {  	_ =	swait.ge [sflag:s23], $0x1  }
0xa3: {  	[sflag:s23] =	ssyncset.done $0x0  }
0xa4: {  	s25 =	simm.s32 $0x1B8E;
	s24 =	sld [smem:$0x3FFE];
	[sflag:s23] =	ssyncadd.s32 $0xFFFFFFFF  }
0xa5: {  	s26 =	simm.s32 $execute0_lowered;
	[smem:$0x3FD2] =	sst s25  }
0xa6: {  	s5 =	sshll.u32 s26, $0x1;
	_ =	strace $0x80000046;
	[dreg:$0x1] =	wrdreg $0xFFFFFFFF  }
0xa7: {  	s28 =	simm.s32 $_size_execute0_lowered;
	s3 =	sadd.s32 s3, s5;
	[dreg:$0x0] =	wrdreg $0x0  }
0xa8: {  	s5 =	sshll.u32 s28, $0x1;
	[dreg:$0x2] =	wrdreg s3  }
0xa9: {  	[dreg:$0x3] =	wrdreg s5  }
0xaa: {  	[dreg:$0x4] =	wrdreg $0xC0  }
0xab: {  	_ =	task [dreg:s7], $0x5FFFF  }
0xac: {  	[dreg:$0x1] =	wrdreg $0xFFFFFFFF  }
0xad: {  	[dreg:$0x0] =	wrdreg $0x60  }
0xae: {  	[dreg:$0x2] =	wrdreg s2  }
0xaf: {  	[dreg:$0x3] =	wrdreg s24  }
0xb0: {  	[dreg:$0x4] =	wrdreg $0x41000  }
0xb1: {  	[dreg:$0x5] =	wrdreg $0x9  }
0xb2: {  	_ =	task.clear_ibuf [dreg:s7], $0x6FFFF;
	_ =	strace $0x90000046  }
0xb3: {  	s29 =	simm.s32 $0x9;
	_ =	strace $0x80000048  }
0xb4: {  	_ =	swait.ge [sflag:s29], $0x1  }
0xb5: {  	[sflag:s29] =	ssyncadd.s32 $0xFFFFFFFF  }
0xb6: {  	_ =	strace $0x90000048  }
0xb7: {  	_ =	sfence  }
0xb8: {  	s30 =	sld [smem:$0x0];
	_ =	sdelay $0x2  }
0xb9: {  	s31 =	sshll.u32 s1, $0xD;
	s1 =	sshrl.u32 s1, $0x2  }
0xba: {  	s3 =	sand.u32 $0x4000, s31;
	s1 =	sadd.s32 s1, s30  }
0xbb: {  	s0 =	sor.u32 s3, s0;
	s1 =	sshll.u32 s1, $0x11  }
0xbc: {  	s0 =	sor.u32 s1, s0  }
0xbd: {  	s0 =	sadd.s32 $0x8F2B, s0  }
0xbe: {  	[sflag:s0] =	ssyncadd.remote.s32 $0x1  }
0xbf: {  	_ =	sfence.sel $0xFFFF  }
0xc0: {  	[dreg:$0x0] =	wrdreg $0xFFFFFFFF;
	(pc) =	sbr.abs _section_cstart, $3  }
0xc1: {  	[dreg:$0x1] =	wrdreg $0xFFFFFFFF  }
0xc2: {  	_ =	task.clear_ibuf [dreg:s7], $0x2FFFF;
	_ =	strace $0x9FFFFFFF  }
0xc3: {  	(tm) =	ssettm $0x7FFFFFFF  }
tec
execute0_lowered:
.L_overlay_start_1:
0x0: {  	(tag) =	ssettag $0x1  }
0x1: {  	s1 =	rddreg [dreg:$0x0]  }
0x2: {  	s2 =	srdreg.scid;
	s5 =	rddreg [dreg:$0x1]  }
0x3: {  	s0 =	stileid.u32;
	s3 =	rddreg [dreg:$0x2]  }
0x4: {  	s4 =	simm.s32 $0x0;
	s13 =	simm.s32 $0x100;
	s7 =	smul.u32 $0x9E00, s0  }
0x5: {  	s14 =	simm.s32 $0x1;
	s6 =	sand.u32 $0x1, s2;
	s29 =	smul.u32 $0x13C00, s0  }
0x6: {  	s15 =	simm.s32 $0x0;
	s2 =	rddreg [dreg:$0x3];
	s8 =	smul.u32 $0x4F00, s6  }
0x7: {  	[smem:$0x7FF] =	sst s4;
	s31 =	sshll.u32 s0, $0x6;
	s9 =	smul.u32 $0x13C000, s6  }
0x8: {  	_ =	strace $0x80000047;
	s6 =	ssub.s32 $0x2, s6;
	s30 =	sshrl.u32 s29, $0x3  }
0x9: {  	s11 =	sshrl.u32 s6, $0x1;
	s12 =	sadd.s32 s29, s3;
	s7 =	sadd.s32 s8, s7  }
0xa: {  	s9 =	sadd.s32 s29, s9;
	s11 =	ssub.s32 s6, s11;
	s6 =	sor.u32 $0x1C02, s31  }
0xb: {  	s7 =	sshrl.u32 s7, $0x3;
	s9 =	sshrl.u32 s9, $0x3;
	s8 =	smax.u32 s11, $0x1  }
0xc: {  	s10 =	sadd.s32 s7, s5;
	s7 =	sadd.s32 s30, s5;
	s9 =	sadd.s32 s9, s5  }
0xd: {  	s11 =	simm.s32 $0x2;
	s5 =	sadd.s32 $0x16000, s7;
	s7 =	sadd.s32 $0x3D800, s9  }
0xe: {  	s9 =	sadd.s32 $0x2400, s10;
	s10 =	sshrl.u32 s12, $0x3;
	s12 =	simm.s32 $0x80  }
.LBB2_1:
0xf: {  	[spmem:s10], [sflag:s6] =	dma.local [hbm:s5], $0x2780  }
0x10: {  	_ =	swait.ge [sflag:s11], $0x2780  }
0x11: {  	[sflag:s11] =	ssyncset.done $0x0  }
0x12: {  	[sflag:s11] =	ssyncadd.s32 $0xFFFFD880  }
0x13: {  	s16 =	sadd.s32 $0x0, s9;
	[bflag:$0x0] =	sbarrier.arrive $0xFFFF  }
0x14: {  	[tilespmem:s4], [sflag:$0x2] =	stream.linear.gather [hbm4b:s16+s4], $0x100, $0x38;
	[tilespmem:$0x17D00] =	vst v63  }
0x15: {  	_ =	swait.ge [sflag:s11], $0x100  }
0x16: {  	[sflag:s11] =	ssyncset.done $0x0  }
0x17: {  	[sflag:s11] =	ssyncadd.s32 $0xFFFFFF00  }
0x18: {  	[tilespmem:s13], [sflag:$0x1] =	stream.indirect.gather [hbm4b:s1+s12], $0x80, s4, s12, $0xb8;
	[tilespmem:$0x17D00] =	vst v63  }
0x19: {  	_ =	swait.ge [sflag:s14], $0x4000  }
0x1a: {  	[sflag:s14] =	ssyncset.done $0x0  }
0x1b: {  	[sflag:s14] =	ssyncadd.s32 $0xFFFFC000  }
0x1c: {  	[spmem:s3] =	stream.indirect.scatter.add.f32 [tilespmem:s13], [sflag:$0x2], $0x80, s12, s12, $0xb8;
	[tilespmem:$0x17D00] =	vst v63  }
0x1d: {  	_ =	swait.ge [sflag:s11], $0x4000  }
0x1e: {  	s17 =	simm.s32 $0x40;
	s16 =	simm.s32 $0x20;
	[sflag:s11] =	ssyncset.done $0x0  }
.LBB2_2:
0x1f: {  	s18 =	sadd.s32 s16, s9  }
0x20: {  	[sflag:s11] =	ssyncadd.s32 $0xFFFFC000;
	s16 =	smov.u32 s17;
	s19 =	sadd.s32 $0x20, s17  }
0x21: {  	[tilespmem:s4], [sflag:$0x2] =	stream.linear.gather [hbm4b:s18+s4], $0x100, $0x38;
	[tilespmem:$0x17D00] =	vst v63  }
0x22: {  	p0 =	sne.s32 s17, $0x9C0;
	_ =	swait.ge [sflag:s11], $0x100  }
0x23: {  	[sflag:s11] =	ssyncset.done $0x0  }
0x24: {  	[sflag:s11] =	ssyncadd.s32 $0xFFFFFF00  }
0x25: {  	[tilespmem:s13], [sflag:$0x1] =	stream.indirect.gather [hbm4b:s1+s12], $0x80, s4, s12, $0xb8;
	[tilespmem:$0x17D00] =	vst v63  }
0x26: {  	_ =	swait.ge [sflag:s14], $0x4000  }
.Ltmp0:
0x27: {  	[sflag:s14] =	ssyncset.done $0x0;
	(pc) =	sbr.rel @p0 .LBB2_2-.Ltmp0, $4  }
0x28: {  	[sflag:s14] =	ssyncadd.s32 $0xFFFFC000  }
0x29: {  	[spmem:s3] =	stream.indirect.scatter.add.f32 [tilespmem:s13], [sflag:$0x2], $0x80, s12, s12, $0xb8;
	[tilespmem:$0x17D00] =	vst v63  }
0x2a: {  	_ =	swait.ge [sflag:s11], $0x4000  }
0x2b: {  	s17 =	smov.u32 s19;
	[sflag:s11] =	ssyncset.done $0x0  }
0x2c: {  	s16 =	sadd.s32 s16, s9;
	[sflag:s11] =	ssyncadd.s32 $0xFFFFC000  }
0x2d: {  	[tilespmem:s4], [sflag:$0x2] =	stream.linear.gather [hbm4b:s16+s4], $0x100, $0x38;
	[tilespmem:$0x17D00] =	vst v63  }
0x2e: {  	_ =	swait.ge [sflag:s11], $0x100  }
0x2f: {  	[sflag:s11] =	ssyncset.done $0x0  }
0x30: {  	[sflag:s11] =	ssyncadd.s32 $0xFFFFFF00  }
0x31: {  	[tilespmem:s13], [sflag:$0x1] =	stream.indirect.gather [hbm4b:s1+s12], $0x80, s4, s12, $0xb8;
	[tilespmem:$0x17D00] =	vst v63  }
0x32: {  	_ =	swait.ge [sflag:s14], $0x4000  }
0x33: {  	[sflag:s14] =	ssyncset.done $0x0  }
0x34: {  	[sflag:s14] =	ssyncadd.s32 $0xFFFFC000  }
0x35: {  	[spmem:s3] =	stream.indirect.scatter.add.f32 [tilespmem:s13], [sflag:$0x2], $0x80, s12, s12, $0xb8;
	[tilespmem:$0x17D00] =	vst v63  }
0x36: {  	_ =	swait.ge [sflag:s11], $0x4000  }
0x37: {  	s15 =	sadd.s32 $0x1, s15;
	[sflag:s11] =	ssyncset.done $0x0  }
0x38: {  	p0 =	sne.s32 s15, s8;
	[sflag:s11] =	ssyncadd.s32 $0xFFFFC000  }
.Ltmp1:
0x39: {  	[bflag:$0x0] =	sbarrier.arrive $0xFFFF;
	(pc) =	sbr.rel @p0 .LBB2_1-.Ltmp1, $4  }
0x3a: {  	[hbm:s7], [sflag:s6] =	dma.local [spmem:s10], $0x2780  }
0x3b: {  	_ =	swait.ge [sflag:s11], $0x2780  }
0x3c: {  	[sflag:s11] =	ssyncset.done $0x0  }
0x3d: {  	[sflag:s11] =	ssyncadd.s32 $0xFFFFD880  }
0x3e: {  	_ =	sfence.sel $0x180000  }
0x3f: {  	[bflag:$0x0] =	sbarrier.arrive $0xFFFF  }
0x40: {  	p0 =	sne.s32 s0, $0x0;
	_ =	strace $0x90000047  }
0x41: {  	s0 =	sadd.s32 @!p0 $0x100000, s2;
	[bflag:$0x2] =	sbarrier.arrive $0xFFFF  }
0x42: {  	[sflag:s0] =	ssyncadd.tile.s32 @!p0 $0x1;
	_ =	shalt  }
.Lfunc_end2:
_tile_overlayer_lowered:
.L_overlay_start_2:
0x43: {  	(tag) =	ssettag $0x2  }
0x44: {  	s0 =	rddreg [dreg:$0x0];
	s2 =	stileid.u32  }
0x45: {  	s1 =	rddreg [dreg:$0x1];
	p0 =	sne.s32 s2, $0x0  }
0x46: {  	s3 =	rddreg [dreg:$0x2];
	[bflag:$0x3] =	sbarrier.arrive $0xFFFF;
	s2 =	simm.s32 @!p0 $0x1C02  }
0x47: {  	[timem:s3], [sflag:s2] =	dma.local @!p0 [hbm:s0], s1  }
0x48: {  	s0 =	simm.s32 @!p0 $0x2  }
0x49: {  	_ =	swait.ge @!p0 [sflag:s0], s1  }
0x4a: {  	s1 =	ssub.s32 @!p0 $0x0, s1;
	[sflag:s0] =	ssyncset.done @!p0 $0x0  }
0x4b: {  	[sflag:s0] =	ssyncadd.s32 @!p0 s1  }
0x4c: {  	[bflag:$0x3] =	sbarrier.arrive $0xFFFF  }
0x4d: {  	_ =	shalt  }

// kernel: kernel.9.cloned.1.call-start
scs
__scs_entry_jumppad:
0x0: {  	(pc) =	sbr.rel $0x88, $3  }
0x1: {  	(tag) =	ssettag $0x0;
	lr =	simm.s32 $0x1  }
0x2: {  	[smem:$0x3F92] =	sst lr;
	_ =	strace $0xD0000000  }
0x3: {  	_ = 	snop  }
0x4: {  	_ = 	snop  }
0x5: {  	_ = 	snop  }
0x6: {  	_ = 	snop  }
0x7: {  	_ = 	snop  }
__scs_overlays_trampoline_lowered:
0x8: {  	[smem:$0x3FA1] =	sst s0  }
0x9: {  	[smem:$0x3FA2] =	sst s1  }
0xa: {  	[smem:$0x3FA3] =	sst s2  }
0xb: {  	[smem:$0x3FA4] =	sst s3  }
0xc: {  	[smem:$0x3FA5] =	sst s4  }
0xd: {  	[smem:$0x3FA6] =	sst s5  }
0xe: {  	[smem:$0x3FA7] =	sst s6  }
0xf: {  	[smem:$0x3FA8] =	sst s7  }
0x10: {  	[smem:$0x3FA9] =	sst s8  }
0x11: {  	[smem:$0x3FAA] =	sst s9;
	s0 =	simm.s32 @!p0 $0x0  }
0x12: {  	s1 =	sld [smem:$0x3F90];
	s0 =	simm.s32 @p0 $0x1  }
0x13: {  	[smem:$0x3FAB] =	sst s0;
	s0 =	simm.s32 @!p1 $0x0  }
0x14: {  	s2 =	sld [smem:$0x3F8F];
	s0 =	simm.s32 @p1 $0x1  }
0x15: {  	[smem:$0x3FAC] =	sst s0;
	s0 =	simm.s32 @!p2 $0x0  }
0x16: {  	s3 =	sld [smem:$0x3FDB];
	s0 =	simm.s32 @p2 $0x1  }
0x17: {  	s4 =	simm.s32 $0x1BF5;
	[smem:$0x3FAE] =	sst s0  }
0x18: {  	s0 =	sld [smem:$0x3F91];
	_ =	swait.ge [sflag:s4], $0x0  }
0x19: {  	s7 =	sld [smem:$0x3F92]  }
0x1a: {  	s8 =	sadd.s32 $0xFFFFE003, lr  }
0x1b: {  	s9 =	sadd.s32 $0xFFFFFEF7, lr;
	s5 =	simm.s32 $0xFFFFFFFF;
	p2 =	slt.u32 s8, $0xFFFFF086  }
0x1c: {  	p1 =	slt.u32 s9, $0xF7A;
	s5 =	simm.s32 @!p2 $0x0  }
0x1d: {  	s5 =	simm.s32 @p1 $0x1;
	p0 =	seq.s32 s7, s2  }
0x1e: {  	s7 =	smul.u32 @!p0 $0xF7A, s2;
	p2 =	seq.s32 @!p0 s5, $0x0  }
0x1f: {  	s9 =	smul.u32 $0xF7A, s1;
	s8 =	simm.s32 @!p0 $0x1BF5;
	p2 =	por !p2, p0  }
0x20: {  	[sflag:s8] =	ssyncset.s32 @!p0 $0xFFFFF086;
	s6 =	sadd.s32 @!p0 s3, s7;
	s7 =	simm.s32 @!p0 $0x108  }
0x21: {  	s3 =	sadd.s32 s3, s9;
	s6 =	sadd.s32 @!p0 $0x88, s6;
	s7 =	simm.s32 @p2 $0x1082  }
0x22: {  	[simem:s7], [sflag:s8] =	dma.local @!p0 [hbm:s6], $0xF7A  }
0x23: {  	s9 =	sor.u32 $0xD0000000, s2;
	s6 =	simm.s32 $0x108;
	_ =	swait.ge @!p0 [sflag:s8], $0x0  }
0x24: {  	s3 =	sadd.s32 $0x88, s3;
	s6 =	simm.s32 @!p1 $0x1082;
	[sflag:s4] =	ssyncset.s32 $0xFFFFF086  }
0x25: {  	[simem:s6], [sflag:s4] =	dma.local [hbm:s3], $0xF7A  }
0x26: {  	[smem:$0x3F92] =	sst s1;
	(tag) =	ssettag s2;
	_ =	strace s9  }
0x27: {  	s1 =	sld [smem:$0x3FA2]  }
0x28: {  	s2 =	sld [smem:$0x3FA3]  }
0x29: {  	s4 =	sld [smem:$0x3FA5]  }
0x2a: {  	p0 =	seq.s32 s5, $0x0;
	s5 =	sld [smem:$0x3FA6]  }
0x2b: {  	s6 =	sld [smem:$0x3FA7]  }
0x2c: {  	s7 =	sld [smem:$0x3FA8]  }
0x2d: {  	s3 =	simm.s32 $0x108;
	s8 =	sld [smem:$0x3FA9]  }
0x2e: {  	s3 =	simm.s32 @!p0 $0x1082;
	s9 =	sld [smem:$0x3FAA]  }
0x2f: {  	lr =	sadd.s32 s0, s3;
	s0 =	sld [smem:$0x3FA1]  }
0x30: {  	s3 =	sld [smem:$0x3FA4]  }
0x31: {  	[smem:$0x3FAD] =	sst s10  }
0x32: {  	s10 =	sld [smem:$0x3FAB];
	_ =	sdelay $0x3  }
0x33: {  	p0 =	seq.s32 s10, $0x1;
	s10 =	sld [smem:$0x3FAD];
	_ =	sdelay $0x3  }
0x34: {  	[smem:$0x3FAD] =	sst s10  }
0x35: {  	s10 =	sld [smem:$0x3FAC];
	_ =	sdelay $0x3  }
0x36: {  	p1 =	seq.s32 s10, $0x1;
	s10 =	sld [smem:$0x3FAD];
	_ =	sdelay $0x3  }
0x37: {  	[smem:$0x3FAD] =	sst s10  }
0x38: {  	s10 =	sld [smem:$0x3FAE]  }
0x39: {  	_ = 	snop;
	(pc) =	sbr.ind lr, $3  }
0x3a: {  	_ = 	snop  }
0x3b: {  	_ = 	snop  }
0x3c: {  	p2 =	seq.s32 s10, $0x1;
	s10 =	sld [smem:$0x3FAD]  }
0x3d: {  	_ =	shalt  }
0x3e: {  	_ =	shalt  }
0x3f: {  	_ =	shalt  }
0x40: {  	_ =	shalt  }
0x41: {  	_ =	shalt  }
0x42: {  	_ =	shalt  }
0x43: {  	_ =	shalt  }
0x44: {  	_ =	shalt  }
0x45: {  	_ =	shalt  }
0x46: {  	_ =	shalt  }
0x47: {  	_ =	shalt  }
0x48: {  	_ =	shalt  }
0x49: {  	_ =	shalt  }
0x4a: {  	_ =	shalt  }
0x4b: {  	_ =	shalt  }
0x4c: {  	_ =	shalt  }
0x4d: {  	_ =	shalt  }
0x4e: {  	_ =	shalt  }
0x4f: {  	_ =	shalt  }
0x50: {  	_ =	shalt  }
0x51: {  	_ =	shalt  }
0x52: {  	_ =	shalt  }
0x53: {  	_ =	shalt  }
0x54: {  	_ =	shalt  }
0x55: {  	_ =	shalt  }
0x56: {  	_ =	shalt  }
0x57: {  	_ =	shalt  }
0x58: {  	_ =	shalt  }
0x59: {  	_ =	shalt  }
0x5a: {  	_ =	shalt  }
0x5b: {  	_ =	shalt  }
0x5c: {  	_ =	shalt  }
0x5d: {  	_ =	shalt  }
0x5e: {  	_ =	shalt  }
0x5f: {  	_ =	shalt  }
0x60: {  	_ =	shalt  }
0x61: {  	_ =	shalt  }
0x62: {  	_ =	shalt  }
0x63: {  	_ =	shalt  }
0x64: {  	_ =	shalt  }
0x65: {  	_ =	shalt  }
0x66: {  	_ =	shalt  }
0x67: {  	_ =	shalt  }
0x68: {  	_ =	shalt  }
0x69: {  	_ =	shalt  }
0x6a: {  	_ =	shalt  }
0x6b: {  	_ =	shalt  }
0x6c: {  	_ =	shalt  }
0x6d: {  	_ =	shalt  }
0x6e: {  	_ =	shalt  }
0x6f: {  	_ =	shalt  }
0x70: {  	_ =	shalt  }
0x71: {  	_ =	shalt  }
0x72: {  	_ =	shalt  }
0x73: {  	_ =	shalt  }
0x74: {  	_ =	shalt  }
0x75: {  	_ =	shalt  }
0x76: {  	_ =	shalt  }
0x77: {  	_ =	shalt  }
0x78: {  	_ =	shalt  }
0x79: {  	_ =	shalt  }
0x7a: {  	_ =	shalt  }
0x7b: {  	_ =	shalt  }
0x7c: {  	_ =	shalt  }
0x7d: {  	_ =	shalt  }
0x7e: {  	_ =	shalt  }
0x7f: {  	_ =	shalt  }
0x80: {  	_ =	shalt  }
0x81: {  	_ =	shalt  }
0x82: {  	_ =	shalt  }
0x83: {  	_ =	shalt  }
0x84: {  	_ =	shalt  }
0x85: {  	_ =	shalt  }
0x86: {  	_ =	shalt  }
0x87: {  	_ =	shalt  }
.Lfunc_end0:
.L_simem_size_0:
called_computation.1_lowered:
.L_overlay_start_0:
0x88: {  	s2 =	sld [smem:$0x3FD9]  }
0x89: {  	s3 =	sld [smem:$0x3FFE];
	_ =	sdelay $0x1  }
0x8a: {  	s1 =	srdreg.scid  }
0x8b: {  	s0 =	sand.u32 $0x1, s1  }
0x8c: {  	s16 =	sshll.u32 s0, $0xA;
	s2 =	sadd.s32 s3, s2  }
0x8d: {  	s2 =	sadd.s32 s2, s16  }
0x8e: {  	[smem:$0x3FB9] =	sst s2  }
0x8f: {  	_ = 	snop  }
0x90: {  	(tm) =	ssettm $0x1  }
0x91: {  	s17 =	sld [smem:$0x3FFB];
	_ =	sdelay $0x3  }
0x92: {  	_ =	strace s17  }
0x93: {  	s2 =	sld [smem:$0x3FFC];
	_ =	sdelay $0x3  }
0x94: {  	_ =	strace s2  }
0x95: {  	s2 =	sld [smem:$0x3FFD];
	_ =	sdelay $0x3  }
0x96: {  	_ =	strace s2  }
0x97: {  	_ =	strace $0x8FFFFFFF  }
0x98: {  	s18 =	sld [smem:$0x3FDB];
	_ =	sdelay $0x1  }
0x99: {  	s19 =	simm.s32 $_scs_section_size  }
0x9a: {  	s4 =	simm.s32 $_size__tile_overlayer_lowered;
	s5 =	simm.s32 $_tile_overlayer_lowered  }
0x9b: {  	s22 =	simm.s32 $0x1BFF;
	s21 =	sshll.u32 s5, $0x1;
	s2 =	sadd.s32 s19, s18  }
0x9c: {  	s6 =	simm.s32 $0x0;
	s20 =	sshll.u32 s4, $0x1;
	s4 =	sadd.s32 s21, s2  }
0x9d: {  	[timem:s6], [sflag:s22] =	dma.local [hbm:s4], s20  }
0x9e: {  	_ =	swait.ge [sflag:s22], s20  }
0x9f: {  	s3 =	ssub.s32 $0x0, s20;
	[sflag:s22] =	ssyncset.done $0x0  }
0xa0: {  	[sflag:s22] =	ssyncadd.s32 s3;
	_ =	sdelay $0x1  }
0xa1: {  	s23 =	simm.s32 $0x1B8B  }
0xa2: {  	_ =	swait.ge [sflag:s23], $0x1  }
0xa3: {  	[sflag:s23] =	ssyncset.done $0x0  }
0xa4: {  	s25 =	simm.s32 $0x1B8E;
	s24 =	sld [smem:$0x3FFE];
	[sflag:s23] =	ssyncadd.s32 $0xFFFFFFFF  }
0xa5: {  	s26 =	simm.s32 $execute0_lowered;
	[smem:$0x3FD2] =	sst s25  }
0xa6: {  	s4 =	sshll.u32 s26, $0x1;
	_ =	strace $0x80000049;
	[dreg:$0x1] =	wrdreg $0xFFFFFFFF  }
0xa7: {  	s28 =	simm.s32 $_size_execute0_lowered;
	s2 =	sadd.s32 s2, s4;
	[dreg:$0x0] =	wrdreg $0x0  }
0xa8: {  	s4 =	sshll.u32 s28, $0x1;
	[dreg:$0x2] =	wrdreg s2  }
0xa9: {  	[dreg:$0x3] =	wrdreg s4  }
0xaa: {  	[dreg:$0x4] =	wrdreg $0xC0  }
0xab: {  	_ =	task [dreg:s6], $0x5FFFF  }
0xac: {  	[dreg:$0x1] =	wrdreg $0xFFFFFFFF  }
0xad: {  	[dreg:$0x0] =	wrdreg $0x60  }
0xae: {  	[dreg:$0x2] =	wrdreg s24  }
0xaf: {  	[dreg:$0x3] =	wrdreg $0x21000  }
0xb0: {  	[dreg:$0x4] =	wrdreg $0x9  }
0xb1: {  	_ =	task.clear_ibuf [dreg:s6], $0x5FFFF;
	_ =	strace $0x90000049  }
0xb2: {  	s29 =	simm.s32 $0x9;
	_ =	strace $0x8000004B  }
0xb3: {  	_ =	swait.ge [sflag:s29], $0x1  }
0xb4: {  	[sflag:s29] =	ssyncadd.s32 $0xFFFFFFFF  }
0xb5: {  	_ =	strace $0x9000004B  }
0xb6: {  	_ =	sfence  }
0xb7: {  	s30 =	sld [smem:$0x0];
	_ =	sdelay $0x2  }
0xb8: {  	s31 =	sshll.u32 s1, $0xD;
	s1 =	sshrl.u32 s1, $0x2  }
0xb9: {  	s3 =	sand.u32 $0x4000, s31;
	s1 =	sadd.s32 s1, s30  }
0xba: {  	s0 =	sor.u32 s3, s0;
	s1 =	sshll.u32 s1, $0x11  }
0xbb: {  	s0 =	sor.u32 s1, s0  }
0xbc: {  	s0 =	sadd.s32 $0x8F2B, s0  }
0xbd: {  	[sflag:s0] =	ssyncadd.remote.s32 $0x1  }
0xbe: {  	_ =	sfence.sel $0xFFFF  }
0xbf: {  	[dreg:$0x0] =	wrdreg $0xFFFFFFFF;
	(pc) =	sbr.abs _section_cstart, $3  }
0xc0: {  	[dreg:$0x1] =	wrdreg $0xFFFFFFFF  }
0xc1: {  	_ =	task.clear_ibuf [dreg:s6], $0x2FFFF;
	_ =	strace $0x9FFFFFFF  }
0xc2: {  	(tm) =	ssettm $0x7FFFFFFF  }
0xc3: {  	_ =	shalt  }
tec
execute0_lowered:
.L_overlay_start_1:
0x0: {  	(tag) =	ssettag $0x1  }
0x1: {  	s1 =	srdreg.scid;
	s7 =	rddreg [dreg:$0x0]  }
0x2: {  	s0 =	stileid.u32;
	s2 =	rddreg [dreg:$0x1]  }
0x3: {  	s3 =	simm.s32 $0x0;
	s13 =	simm.s32 $0x100;
	s14 =	simm.s32 $0x1  }
0x4: {  	s5 =	sand.u32 $0x1, s1;
	s6 =	smul.u32 $0x9E00, s0;
	s1 =	rddreg [dreg:$0x2]  }
0x5: {  	s15 =	simm.s32 $0x0;
	[smem:$0x7FF] =	sst s3;
	s4 =	smul.u32 $0x4F00, s5  }
0x6: {  	s31 =	sshll.u32 s0, $0x6;
	s9 =	smul.u32 $0x9E000, s5;
	s5 =	ssub.s32 $0x2, s5  }
0x7: {  	_ =	strace $0x8000004A;
	s29 =	sshrl.u32 s6, $0x3;
	s11 =	sshrl.u32 s5, $0x1  }
0x8: {  	s12 =	sadd.s32 s6, s2;
	s4 =	sadd.s32 s4, s6;
	s9 =	sadd.s32 s6, s9  }
0x9: {  	s30 =	ssub.s32 s5, s11;
	s6 =	sor.u32 $0x1C02, s31;
	s11 =	simm.s32 $0x2  }
0xa: {  	s8 =	sshrl.u32 s4, $0x3;
	s4 =	sadd.s32 $0x16000, s7;
	s9 =	sshrl.u32 s9, $0x3  }
0xb: {  	s10 =	sadd.s32 s8, s7;
	s8 =	sadd.s32 s29, s7;
	s7 =	sadd.s32 s9, s7  }
0xc: {  	s5 =	sadd.s32 $0x29A00, s8;
	s7 =	sadd.s32 $0x3D600, s7;
	s8 =	smax.u32 s30, $0x1  }
0xd: {  	s9 =	sadd.s32 $0x2400, s10;
	s10 =	sshrl.u32 s12, $0x3;
	s12 =	simm.s32 $0x80  }
.LBB2_1:
0xe: {  	[spmem:s10], [sflag:s6] =	dma.local [hbm:s5], $0x13C0  }
0xf: {  	_ =	swait.ge [sflag:s11], $0x13C0  }
0x10: {  	[sflag:s11] =	ssyncset.done $0x0  }
0x11: {  	[sflag:s11] =	ssyncadd.s32 $0xFFFFEC40  }
0x12: {  	s16 =	sadd.s32 $0x0, s9;
	[bflag:$0x0] =	sbarrier.arrive $0xFFFF  }
0x13: {  	[tilespmem:s3], [sflag:$0x2] =	stream.linear.gather [hbm4b:s16+s3], $0x100, $0x38;
	[tilespmem:$0xBF00] =	vst v63  }
0x14: {  	_ =	swait.ge [sflag:s11], $0x100  }
0x15: {  	[sflag:s11] =	ssyncset.done $0x0  }
0x16: {  	[sflag:s11] =	ssyncadd.s32 $0xFFFFFF00  }
0x17: {  	[tilespmem:s13], [sflag:$0x1] =	stream.indirect.gather [hbm4b:s4+s12], $0x40, s3, s12, $0xb8;
	[tilespmem:$0xBF00] =	vst v63  }
0x18: {  	_ =	swait.ge [sflag:s14], $0x2000  }
0x19: {  	[sflag:s14] =	ssyncset.done $0x0  }
0x1a: {  	[sflag:s14] =	ssyncadd.s32 $0xFFFFE000  }
0x1b: {  	[spmem:s2] =	stream.indirect.scatter.add.f32 [tilespmem:s13], [sflag:$0x2], $0x40, s12, s12, $0xb8;
	[tilespmem:$0xBF00] =	vst v63  }
0x1c: {  	_ =	swait.ge [sflag:s11], $0x2000  }
0x1d: {  	s17 =	simm.s32 $0x40;
	s16 =	simm.s32 $0x20;
	[sflag:s11] =	ssyncset.done $0x0  }
.LBB2_2:
0x1e: {  	s18 =	sadd.s32 s16, s9  }
0x1f: {  	[sflag:s11] =	ssyncadd.s32 $0xFFFFE000;
	s16 =	smov.u32 s17;
	s19 =	sadd.s32 $0x20, s17  }
0x20: {  	[tilespmem:s3], [sflag:$0x2] =	stream.linear.gather [hbm4b:s18+s3], $0x100, $0x38;
	[tilespmem:$0xBF00] =	vst v63  }
0x21: {  	p0 =	sne.s32 s17, $0x9C0;
	_ =	swait.ge [sflag:s11], $0x100  }
0x22: {  	[sflag:s11] =	ssyncset.done $0x0  }
0x23: {  	[sflag:s11] =	ssyncadd.s32 $0xFFFFFF00  }
0x24: {  	[tilespmem:s13], [sflag:$0x1] =	stream.indirect.gather [hbm4b:s4+s12], $0x40, s3, s12, $0xb8;
	[tilespmem:$0xBF00] =	vst v63  }
0x25: {  	_ =	swait.ge [sflag:s14], $0x2000  }
.Ltmp0:
0x26: {  	[sflag:s14] =	ssyncset.done $0x0;
	(pc) =	sbr.rel @p0 .LBB2_2-.Ltmp0, $4  }
0x27: {  	[sflag:s14] =	ssyncadd.s32 $0xFFFFE000  }
0x28: {  	[spmem:s2] =	stream.indirect.scatter.add.f32 [tilespmem:s13], [sflag:$0x2], $0x40, s12, s12, $0xb8;
	[tilespmem:$0xBF00] =	vst v63  }
0x29: {  	_ =	swait.ge [sflag:s11], $0x2000  }
0x2a: {  	s17 =	smov.u32 s19;
	[sflag:s11] =	ssyncset.done $0x0  }
0x2b: {  	s16 =	sadd.s32 s16, s9;
	[sflag:s11] =	ssyncadd.s32 $0xFFFFE000  }
0x2c: {  	[tilespmem:s3], [sflag:$0x2] =	stream.linear.gather [hbm4b:s16+s3], $0x100, $0x38;
	[tilespmem:$0xBF00] =	vst v63  }
0x2d: {  	_ =	swait.ge [sflag:s11], $0x100  }
0x2e: {  	[sflag:s11] =	ssyncset.done $0x0  }
0x2f: {  	[sflag:s11] =	ssyncadd.s32 $0xFFFFFF00  }
0x30: {  	[tilespmem:s13], [sflag:$0x1] =	stream.indirect.gather [hbm4b:s4+s12], $0x40, s3, s12, $0xb8;
	[tilespmem:$0xBF00] =	vst v63  }
0x31: {  	_ =	swait.ge [sflag:s14], $0x2000  }
0x32: {  	[sflag:s14] =	ssyncset.done $0x0  }
0x33: {  	[sflag:s14] =	ssyncadd.s32 $0xFFFFE000  }
0x34: {  	[spmem:s2] =	stream.indirect.scatter.add.f32 [tilespmem:s13], [sflag:$0x2], $0x40, s12, s12, $0xb8;
	[tilespmem:$0xBF00] =	vst v63  }
0x35: {  	_ =	swait.ge [sflag:s11], $0x2000  }
0x36: {  	s15 =	sadd.s32 $0x1, s15;
	[sflag:s11] =	ssyncset.done $0x0  }
0x37: {  	p0 =	sne.s32 s15, s8;
	[sflag:s11] =	ssyncadd.s32 $0xFFFFE000  }
.Ltmp1:
0x38: {  	[bflag:$0x0] =	sbarrier.arrive $0xFFFF;
	(pc) =	sbr.rel @p0 .LBB2_1-.Ltmp1, $4  }
0x39: {  	[hbm:s7], [sflag:s6] =	dma.local [spmem:s10], $0x13C0  }
0x3a: {  	_ =	swait.ge [sflag:s11], $0x13C0  }
0x3b: {  	[sflag:s11] =	ssyncset.done $0x0  }
0x3c: {  	[sflag:s11] =	ssyncadd.s32 $0xFFFFEC40  }
0x3d: {  	_ =	sfence.sel $0x180000  }
0x3e: {  	[bflag:$0x0] =	sbarrier.arrive $0xFFFF  }
0x3f: {  	p0 =	sne.s32 s0, $0x0;
	_ =	strace $0x9000004A  }
0x40: {  	s0 =	sadd.s32 @!p0 $0x100000, s1;
	[bflag:$0x2] =	sbarrier.arrive $0xFFFF  }
0x41: {  	[sflag:s0] =	ssyncadd.tile.s32 @!p0 $0x1;
	_ =	shalt  }
.Lfunc_end2:
_tile_overlayer_lowered:
.L_overlay_start_2:
0x42: {  	(tag) =	ssettag $0x2  }
0x43: {  	s0 =	rddreg [dreg:$0x0];
	s2 =	stileid.u32  }
0x44: {  	s1 =	rddreg [dreg:$0x1];
	p0 =	sne.s32 s2, $0x0  }
0x45: {  	s3 =	rddreg [dreg:$0x2];
	[bflag:$0x3] =	sbarrier.arrive $0xFFFF;
	s2 =	simm.s32 @!p0 $0x1C02  }
0x46: {  	[timem:s3], [sflag:s2] =	dma.local @!p0 [hbm:s0], s1  }
0x47: {  	s0 =	simm.s32 @!p0 $0x2  }
0x48: {  	_ =	swait.ge @!p0 [sflag:s0], s1  }
0x49: {  	s1 =	ssub.s32 @!p0 $0x0, s1;
	[sflag:s0] =	ssyncset.done @!p0 $0x0  }
0x4a: {  	[sflag:s0] =	ssyncadd.s32 @!p0 s1  }
0x4b: {  	[bflag:$0x3] =	sbarrier.arrive $0xFFFF  }
0x4c: {  	_ =	shalt  }

</sc_bundles>
